<compile_context>
chip_gen: v7x
topology: tpu7x:2x2x1
jax: 0.10.2.dev20260603
libtpu: 0.0.44.dev20260713+nightly
codegen_flags: <defaults>
</compile_context>

<pallas_src>
import functools

import jax
import jax.numpy as jnp
from jax import lax
from jax.experimental import pallas as pl
from jax.experimental.pallas import tpu as pltpu
from jax.experimental.pallas import tpu_sc as plsc

B = 16384
VOCAB1 = 1000001
DIM = 32
ODIM = 2 * DIM + 1
NBUCKETS = 1000
TSROWS = 1024
L = 16

_NC = 2
_NS = 16
_NW = _NC * _NS
_BPW = B // _NW
_NBUF = 8
_PITCH = 72

_STEPS = (512, 256, 128, 64, 32, 16, 8, 4, 2, 1)


def _body(uid_hbm, ts_hbm, utab_hbm, ttab_hbm, bkt_hbm, mean_hbm, scale_hbm,
          out_hbm, idx_v, ts_v, tsj_v, ring_v, ttab_v, out_v, bkt_v, ms_v,
          sems, sem_t):
    wid = lax.axis_index("s") * _NC + lax.axis_index("c")
    base = wid * _BPW
    lane = lax.iota(jnp.int32, L)

    pltpu.sync_copy(uid_hbm.at[pl.ds(base, _BPW)], idx_v.at[pl.ds(0, _BPW)])
    pltpu.sync_copy(ts_hbm.at[pl.ds(base, _BPW)], ts_v)
    pltpu.sync_copy(bkt_hbm, bkt_v)
    pltpu.sync_copy(mean_hbm, ms_v.at[pl.ds(0, L)])
    pltpu.sync_copy(scale_hbm, ms_v.at[pl.ds(L, L)])
    cp_tt = pltpu.make_async_copy(ttab_hbm, ttab_v, sem_t)
    cp_tt.start()

    def _fetch(r, slot):
        uvec = idx_v[pl.ds(r, L)]
        b = uvec[0] >> 7
        return pltpu.make_async_copy(
            utab_hbm.at[:, pl.ds(b * 128, 128)], ring_v.at[slot],
            sems.at[slot])

    for s in range(_NBUF):
        _fetch(s, s).start()

    mean = ms_v[pl.ds(0, L)]
    scale = ms_v[pl.ds(L, L)]

    def bucketize(i, carry):
        off = pl.multiple_of(i * L, L)
        t = ts_v[pl.ds(off, L)]
        pos = jnp.zeros((L,), jnp.int32)
        for step in _STEPS:
            cand = pos + step
            safe = jnp.minimum(cand - 1, NBUCKETS - 1)
            bv = plsc.load_gather(bkt_v, [safe])
            take = jnp.logical_and(cand <= NBUCKETS, bv < t)
            pos = jnp.where(take, cand, pos)
        tsj_v[pl.ds(off, L)] = pos * DIM
        rows = (off + lane) * _PITCH + 2 * DIM
        plsc.store_scatter(out_v, [rows], (t - mean) * scale)
        return carry

    def tsblock(i, carry):
        off = pl.multiple_of(i * L, L)
        jvec = tsj_v[pl.ds(off, L)]
        for s in range(L):
            joff = pl.multiple_of(jvec[s], DIM)
            ro = pl.multiple_of((off + s) * _PITCH, 8)
            out_v[pl.ds(ro + 2 * L, L)] = ttab_v[pl.ds(joff, L)]
            out_v[pl.ds(ro + 3 * L, L)] = ttab_v[pl.ds(joff + L, L)]
        return carry

    cp_tt.wait()

    def ublock(g, carry):
        @pl.when(g & 1 == 0)
        def _():
            bucketize(g >> 1, 0)

        @pl.when(g & 1 == 1)
        def _():
            tsblock(g >> 1, 0)

        r0 = pl.multiple_of(g * _NBUF, _NBUF)
        for s in range(_NBUF):
            r = r0 + s
            _fetch(r, s).wait()
            uvec = idx_v[pl.ds(r, L)]
            c = jnp.full((L,), uvec[0] & 127, jnp.int32)
            ro = pl.multiple_of(r * _PITCH, 8)
            out_v[pl.ds(ro, L)] = plsc.load_gather(ring_v.at[s], [lane, c])
            out_v[pl.ds(ro + L, L)] = plsc.load_gather(ring_v.at[s],
                                                       [lane + L, c])

            @pl.when(r + _NBUF < _BPW)
            def _():
                _fetch(r + _NBUF, s).start()
        return carry

    lax.fori_loop(0, _BPW // _NBUF, ublock, 0)

    pltpu.sync_copy(out_v, out_hbm.at[pl.ds(base * _PITCH, _BPW * _PITCH)])


@jax.jit
def _run(user_id, timestamp, utab_t, ttab_f, buckets, mean16, scale16):
    mesh = plsc.VectorSubcoreMesh(core_axis_name="c", subcore_axis_name="s")
    f = functools.partial(
        pl.kernel,
        mesh=mesh,
        out_type=jax.ShapeDtypeStruct((B * _PITCH,), jnp.float32),
        scratch_types=[
            pltpu.VMEM((_BPW + L,), jnp.int32),
            pltpu.VMEM((_BPW,), jnp.float32),
            pltpu.VMEM((_BPW,), jnp.int32),
            pltpu.VMEM((_NBUF, DIM, 128), jnp.float32),
            pltpu.VMEM((TSROWS * DIM,), jnp.float32),
            pltpu.VMEM((_BPW * _PITCH,), jnp.float32),
            pltpu.VMEM((NBUCKETS,), jnp.float32),
            pltpu.VMEM((2 * L,), jnp.float32),
            pltpu.SemaphoreType.DMA((_NBUF,)),
            pltpu.SemaphoreType.DMA,
        ],
        compiler_params=pltpu.CompilerParams(use_tc_tiling_on_sc=True,
                                             needs_layout_passes=False,
                                             disable_bounds_checks=True),
    )(_body)
    out = f(user_id, timestamp, utab_t, ttab_f, buckets, mean16, scale16)
    return out.reshape(B, _PITCH)[:, :ODIM]


def kernel(user_id, timestamp, user_table, ts_table, buckets, norm_mean,
           norm_var):
    scale = lax.rsqrt(norm_var[0] + 1e-6)
    mean16 = jnp.broadcast_to(norm_mean[0], (L,))
    scale16 = jnp.broadcast_to(scale, (L,))
    utab_t = user_table.T
    ttab_f = jnp.pad(ts_table.reshape(-1),
                     (0, (TSROWS - ts_table.shape[0]) * DIM))
    return _run(user_id.astype(jnp.int32), timestamp, utab_t, ttab_f,
                buckets, mean16, scale16)

# --- scband reference (transcript-rebuilt; emitter-appended) ---
"""Pipeline reference for scband-user-model-19413252178490 (READ-ONLY COPY).

The authoritative reference and input builder live on the scoring server;
editing this copy changes nothing except your own understanding.
"""

import jax, jax.numpy as jnp
import numpy as np

B = 16384
VOCAB = 1000000
DIM = 32
NBUCKETS = 1000


def setup_inputs(seed: int = 0) -> dict:
    key = jax.random.key(seed)
    k1, k2, k3, k4 = jax.random.split(key, 4)
    user_id = jax.random.randint(k1, (B,), 0, VOCAB)
    timestamp = jax.random.uniform(k2, (B,), dtype=jnp.float32)
    # StringLookup vocab_size includes OOV token -> VOCAB + 1 rows
    user_table = jax.random.normal(k3, (VOCAB + 1, DIM), dtype=jnp.float32) * 0.05
    # Discretization with NBUCKETS boundaries -> NBUCKETS + 2 embedding rows (per original code)
    ts_table = jax.random.normal(k4, (NBUCKETS + 2, DIM), dtype=jnp.float32) * 0.05
    buckets = jnp.linspace(0.0, 1.0, NBUCKETS).astype(jnp.float32)
    norm_mean = jnp.full((1,), 0.5, dtype=jnp.float32)
    norm_var = jnp.full((1,), 1.0 / 12.0, dtype=jnp.float32)
    return {
        "user_id": user_id,
        "timestamp": timestamp,
        "user_table": user_table,
        "ts_table": ts_table,
        "buckets": buckets,
        "norm_mean": norm_mean,
        "norm_var": norm_var,
    }


def reference(user_id, timestamp, user_table, ts_table, buckets, norm_mean, norm_var):
    # user_embedding: StringLookup (already materialized as int ids) + Embedding gather
    user_emb = jnp.take(user_table, user_id, axis=0)
    # timestamp_embedding: Discretization (bucketize) + Embedding gather
    ts_idx = jnp.searchsorted(buckets, timestamp)
    ts_emb = jnp.take(ts_table, ts_idx, axis=0)
    # Normalization(axis=None): (x - mean) / sqrt(var)
    norm_t = (timestamp - norm_mean[0]) * jax.lax.rsqrt(norm_var[0] + 1e-6)
    return jnp.concatenate([user_emb, ts_emb, jnp.reshape(norm_t, (-1, 1))], axis=1)

if __name__ == "__main__":
    import jax
    _d = setup_inputs()
    print(jax.jit(kernel)(*tuple(_d.values())))

</pallas_src>

<mosaic_0001>
#map = affine_map<(d0, d1) -> (0)>
#map1 = affine_map<(d0, d1) -> (0, 0)>
module attributes {stable_mosaic.version = 14 : i64} {
  func.func @_body(%arg0: i32, %arg1: i32, %arg2: memref<16384xi32, #tpu.memory_space<hbm>>, %arg3: memref<16384xf32, #tpu.memory_space<hbm>>, %arg4: memref<32x1000001xf32, #tpu.memory_space<hbm>>, %arg5: memref<32768xf32, #tpu.memory_space<hbm>>, %arg6: memref<1000xf32, #tpu.memory_space<hbm>>, %arg7: memref<16xf32, #tpu.memory_space<hbm>>, %arg8: memref<16xf32, #tpu.memory_space<hbm>>, %arg9: memref<1179648xf32, #tpu.memory_space<hbm>>, %arg10: memref<528xi32, #tpu.memory_space<vmem>>, %arg11: memref<512xf32, #tpu.memory_space<vmem>>, %arg12: memref<512xi32, #tpu.memory_space<vmem>>, %arg13: memref<8x32x128xf32, #tpu.memory_space<vmem>>, %arg14: memref<32768xf32, #tpu.memory_space<vmem>>, %arg15: memref<36864xf32, #tpu.memory_space<vmem>>, %arg16: memref<1000xf32, #tpu.memory_space<vmem>>, %arg17: memref<32xf32, #tpu.memory_space<vmem>>, %arg18: memref<8x!tpu.dma_semaphore, #tpu.memory_space<semaphore_mem>>, %arg19: memref<!tpu.dma_semaphore, #tpu.memory_space<semaphore_mem>>) attributes {dimension_semantics = [#tpu.dimension_semantics<core_parallel>, #tpu.dimension_semantics<subcore_parallel>], iteration_bounds = array<i64: 2, 16>, scalar_prefetch = 0 : i64, scratch_operands = 10 : i64, tpu.core_type = #tpu.core_type<sc_vector_subcore>, window_params = [{transform_indices = #map}, {transform_indices = #map}, {transform_indices = #map1}, {transform_indices = #map}, {transform_indices = #map}, {transform_indices = #map}, {transform_indices = #map}, {transform_indices = #map}]} {
    %mul3A = arith.constant 2 : i32
    %mul3A_0 = arith.muli %arg1, %mul3A : i32
    %add3A = arith.addi %mul3A_0, %arg0 : i32
    %mul3A_1 = arith.constant 512 : i32
    %mul3A_2 = arith.muli %add3A, %mul3A_1 : i32
    %iota3A = tpu.iota {dimensions = array<i32: 0>} : vector<16xi32>
    "tpu.region"() ({
      %run_scoped3A = tpu.sem_alloc : memref<!tpu.dma_semaphore, #tpu.memory_space<semaphore_mem>>
      %dma_start3A_201 = arith.constant 0 : i32
      %dma_start3A_202 = tpu.memref_slice %arg10[%dma_start3A_201] : memref<528xi32, #tpu.memory_space<vmem>> -> memref<512xi32, #tpu.memory_space<vmem>>
      %dma_start3A_203 = tpu.memref_slice %arg2[%mul3A_2] : memref<16384xi32, #tpu.memory_space<hbm>> -> memref<512xi32, #tpu.memory_space<hbm>>
      %dma_start3A_204 = arith.constant 0 : i32
      %dma_start3A_205 = tpu.memref_slice %arg10[%dma_start3A_204] : memref<528xi32, #tpu.memory_space<vmem>> -> memref<512xi32, #tpu.memory_space<vmem>>
      %dma_start3A_206 = tpu.memref_slice %arg2[%mul3A_2] : memref<16384xi32, #tpu.memory_space<hbm>> -> memref<512xi32, #tpu.memory_space<hbm>>
      tpu.enqueue_dma source(%dma_start3A_206 : memref<512xi32, #tpu.memory_space<hbm>>) target(%dma_start3A_205 : memref<512xi32, #tpu.memory_space<vmem>>) target_semaphore(%run_scoped3A : memref<!tpu.dma_semaphore, #tpu.memory_space<semaphore_mem>>)
      %dma_wait3A = arith.constant 0 : i32
      %dma_wait3A_207 = tpu.memref_slice %arg10[%dma_wait3A] : memref<528xi32, #tpu.memory_space<vmem>> -> memref<512xi32, #tpu.memory_space<vmem>>
      %dma_wait3A_208 = tpu.memref_slice %arg2[%mul3A_2] : memref<16384xi32, #tpu.memory_space<hbm>> -> memref<512xi32, #tpu.memory_space<hbm>>
      %dma_wait3A_209 = arith.constant 0 : i32
      %dma_wait3A_210 = tpu.memref_slice %arg10[%dma_wait3A_209] : memref<528xi32, #tpu.memory_space<vmem>> -> memref<512xi32, #tpu.memory_space<vmem>>
      %dma_wait3A_211 = tpu.memref_slice %arg2[%mul3A_2] : memref<16384xi32, #tpu.memory_space<hbm>> -> memref<512xi32, #tpu.memory_space<hbm>>
      tpu.wait_dma2 semaphore(%run_scoped3A : memref<!tpu.dma_semaphore, #tpu.memory_space<semaphore_mem>>) src(%dma_wait3A_211 : memref<512xi32, #tpu.memory_space<hbm>>) dst(%dma_wait3A_210 : memref<512xi32, #tpu.memory_space<vmem>>)
      tpu.yield
    }) : () -> ()
    "tpu.region"() ({
      %run_scoped3A = tpu.sem_alloc : memref<!tpu.dma_semaphore, #tpu.memory_space<semaphore_mem>>
      %dma_start3A_201 = tpu.memref_slice %arg3[%mul3A_2] : memref<16384xf32, #tpu.memory_space<hbm>> -> memref<512xf32, #tpu.memory_space<hbm>>
      %dma_start3A_202 = tpu.memref_slice %arg3[%mul3A_2] : memref<16384xf32, #tpu.memory_space<hbm>> -> memref<512xf32, #tpu.memory_space<hbm>>
      tpu.enqueue_dma source(%dma_start3A_202 : memref<512xf32, #tpu.memory_space<hbm>>) target(%arg11 : memref<512xf32, #tpu.memory_space<vmem>>) target_semaphore(%run_scoped3A : memref<!tpu.dma_semaphore, #tpu.memory_space<semaphore_mem>>)
      %dma_wait3A = tpu.memref_slice %arg3[%mul3A_2] : memref<16384xf32, #tpu.memory_space<hbm>> -> memref<512xf32, #tpu.memory_space<hbm>>
      %dma_wait3A_203 = tpu.memref_slice %arg3[%mul3A_2] : memref<16384xf32, #tpu.memory_space<hbm>> -> memref<512xf32, #tpu.memory_space<hbm>>
      tpu.wait_dma2 semaphore(%run_scoped3A : memref<!tpu.dma_semaphore, #tpu.memory_space<semaphore_mem>>) src(%dma_wait3A_203 : memref<512xf32, #tpu.memory_space<hbm>>) dst(%arg11 : memref<512xf32, #tpu.memory_space<vmem>>)
      tpu.yield
    }) : () -> ()
    "tpu.region"() ({
      %run_scoped3A = tpu.sem_alloc : memref<!tpu.dma_semaphore, #tpu.memory_space<semaphore_mem>>
      tpu.enqueue_dma source(%arg6 : memref<1000xf32, #tpu.memory_space<hbm>>) target(%arg16 : memref<1000xf32, #tpu.memory_space<vmem>>) target_semaphore(%run_scoped3A : memref<!tpu.dma_semaphore, #tpu.memory_space<semaphore_mem>>)
      tpu.wait_dma2 semaphore(%run_scoped3A : memref<!tpu.dma_semaphore, #tpu.memory_space<semaphore_mem>>) src(%arg6 : memref<1000xf32, #tpu.memory_space<hbm>>) dst(%arg16 : memref<1000xf32, #tpu.memory_space<vmem>>)
      tpu.yield
    }) : () -> ()
    "tpu.region"() ({
      %run_scoped3A = tpu.sem_alloc : memref<!tpu.dma_semaphore, #tpu.memory_space<semaphore_mem>>
      %dma_start3A_201 = arith.constant 0 : i32
      %dma_start3A_202 = tpu.memref_slice %arg17[%dma_start3A_201] : memref<32xf32, #tpu.memory_space<vmem>> -> memref<16xf32, #tpu.memory_space<vmem>>
      %dma_start3A_203 = arith.constant 0 : i32
      %dma_start3A_204 = tpu.memref_slice %arg17[%dma_start3A_203] : memref<32xf32, #tpu.memory_space<vmem>> -> memref<16xf32, #tpu.memory_space<vmem>>
      tpu.enqueue_dma source(%arg7 : memref<16xf32, #tpu.memory_space<hbm>>) target(%dma_start3A_204 : memref<16xf32, #tpu.memory_space<vmem>>) target_semaphore(%run_scoped3A : memref<!tpu.dma_semaphore, #tpu.memory_space<semaphore_mem>>)
      %dma_wait3A = arith.constant 0 : i32
      %dma_wait3A_205 = tpu.memref_slice %arg17[%dma_wait3A] : memref<32xf32, #tpu.memory_space<vmem>> -> memref<16xf32, #tpu.memory_space<vmem>>
      %dma_wait3A_206 = arith.constant 0 : i32
      %dma_wait3A_207 = tpu.memref_slice %arg17[%dma_wait3A_206] : memref<32xf32, #tpu.memory_space<vmem>> -> memref<16xf32, #tpu.memory_space<vmem>>
      tpu.wait_dma2 semaphore(%run_scoped3A : memref<!tpu.dma_semaphore, #tpu.memory_space<semaphore_mem>>) src(%arg7 : memref<16xf32, #tpu.memory_space<hbm>>) dst(%dma_wait3A_207 : memref<16xf32, #tpu.memory_space<vmem>>)
      tpu.yield
    }) : () -> ()
    "tpu.region"() ({
      %run_scoped3A = tpu.sem_alloc : memref<!tpu.dma_semaphore, #tpu.memory_space<semaphore_mem>>
      %dma_start3A_201 = arith.constant 16 : i32
      %dma_start3A_202 = tpu.memref_slice %arg17[%dma_start3A_201] : memref<32xf32, #tpu.memory_space<vmem>> -> memref<16xf32, #tpu.memory_space<vmem>>
      %dma_start3A_203 = arith.constant 16 : i32
      %dma_start3A_204 = tpu.memref_slice %arg17[%dma_start3A_203] : memref<32xf32, #tpu.memory_space<vmem>> -> memref<16xf32, #tpu.memory_space<vmem>>
      tpu.enqueue_dma source(%arg8 : memref<16xf32, #tpu.memory_space<hbm>>) target(%dma_start3A_204 : memref<16xf32, #tpu.memory_space<vmem>>) target_semaphore(%run_scoped3A : memref<!tpu.dma_semaphore, #tpu.memory_space<semaphore_mem>>)
      %dma_wait3A = arith.constant 16 : i32
      %dma_wait3A_205 = tpu.memref_slice %arg17[%dma_wait3A] : memref<32xf32, #tpu.memory_space<vmem>> -> memref<16xf32, #tpu.memory_space<vmem>>
      %dma_wait3A_206 = arith.constant 16 : i32
      %dma_wait3A_207 = tpu.memref_slice %arg17[%dma_wait3A_206] : memref<32xf32, #tpu.memory_space<vmem>> -> memref<16xf32, #tpu.memory_space<vmem>>
      tpu.wait_dma2 semaphore(%run_scoped3A : memref<!tpu.dma_semaphore, #tpu.memory_space<semaphore_mem>>) src(%arg8 : memref<16xf32, #tpu.memory_space<hbm>>) dst(%dma_wait3A_207 : memref<16xf32, #tpu.memory_space<vmem>>)
      tpu.yield
    }) : () -> ()
    tpu.enqueue_dma source(%arg5 : memref<32768xf32, #tpu.memory_space<hbm>>) target(%arg14 : memref<32768xf32, #tpu.memory_space<vmem>>) target_semaphore(%arg19 : memref<!tpu.dma_semaphore, #tpu.memory_space<semaphore_mem>>)
    %get3A = arith.constant 0 : index
    %get3A_3 = tpu.vector_load %arg10[%get3A] {strides = array<i32>} : memref<528xi32, #tpu.memory_space<vmem>>, vector<16xi32>,
    %slice3A = vector.extract_strided_slice %get3A_3 {offsets = [0], sizes = [1], strides = [1]} : vector<16xi32> to vector<1xi32>
    %squeeze3A = vector.extract %slice3A[0] : i32 from vector<1xi32>
    %shift_right_arithmetic3A = arith.constant 7 : i32
    %shift_right_arithmetic3A_4 = arith.shrsi %squeeze3A, %shift_right_arithmetic3A : i32
    %mul3A_5 = arith.constant 128 : i32
    %mul3A_6 = arith.muli %shift_right_arithmetic3A_4, %mul3A_5 : i32
    %dma_start3A = arith.constant 0 : i32
    %dma_start3A_7 = arith.constant 0 : i32
    %dma_start3A_8 = arith.constant 0 : i32
    %dma_start3A_9 = arith.constant 0 : i32
    %dma_start3A_10 = tpu.memref_slice %arg13[%dma_start3A, %dma_start3A_8, %dma_start3A_9] : memref<8x32x128xf32, #tpu.memory_space<vmem>> -> memref<1x32x128xf32, #tpu.memory_space<vmem>>
    %dma_start3A_11 = tpu.memref_squeeze %dma_start3A_10 : memref<1x32x128xf32, #tpu.memory_space<vmem>> -> memref<32x128xf32, #tpu.memory_space<vmem>>
    %dma_start3A_12 = arith.constant 0 : i32
    %dma_start3A_13 = tpu.memref_slice %arg4[%dma_start3A_12, %mul3A_6] : memref<32x1000001xf32, #tpu.memory_space<hbm>> -> memref<32x128xf32, #tpu.memory_space<hbm>>
    %dma_start3A_14 = tpu.memref_slice %arg18[%dma_start3A_7] : memref<8x!tpu.dma_semaphore, #tpu.memory_space<semaphore_mem>> -> memref<1x!tpu.dma_semaphore, #tpu.memory_space<semaphore_mem>>
    %dma_start3A_15 = tpu.memref_squeeze %dma_start3A_14 : memref<1x!tpu.dma_semaphore, #tpu.memory_space<semaphore_mem>> -> memref<!tpu.dma_semaphore, #tpu.memory_space<semaphore_mem>>
    %dma_start3A_16 = arith.constant 0 : i32
    %dma_start3A_17 = arith.constant 0 : i32
    %dma_start3A_18 = tpu.memref_slice %arg13[%dma_start3A, %dma_start3A_16, %dma_start3A_17] : memref<8x32x128xf32, #tpu.memory_space<vmem>> -> memref<1x32x128xf32, #tpu.memory_space<vmem>>
    %dma_start3A_19 = tpu.memref_squeeze %dma_start3A_18 : memref<1x32x128xf32, #tpu.memory_space<vmem>> -> memref<32x128xf32, #tpu.memory_space<vmem>>
    %dma_start3A_20 = arith.constant 0 : i32
    %dma_start3A_21 = tpu.memref_slice %arg4[%dma_start3A_20, %mul3A_6] : memref<32x1000001xf32, #tpu.memory_space<hbm>> -> memref<32x128xf32, #tpu.memory_space<hbm>>
    tpu.enqueue_dma source(%dma_start3A_21 : memref<32x128xf32, #tpu.memory_space<hbm>>) target(%dma_start3A_19 : memref<32x128xf32, #tpu.memory_space<vmem>>) target_semaphore(%dma_start3A_15 : memref<!tpu.dma_semaphore, #tpu.memory_space<semaphore_mem>>)
    %get3A_22 = arith.constant 1 : index
    %get3A_23 = tpu.vector_load %arg10[%get3A_22] {strides = array<i32>} : memref<528xi32, #tpu.memory_space<vmem>>, vector<16xi32>,
    %slice3A_24 = vector.extract_strided_slice %get3A_23 {offsets = [0], sizes = [1], strides = [1]} : vector<16xi32> to vector<1xi32>
    %squeeze3A_25 = vector.extract %slice3A_24[0] : i32 from vector<1xi32>
    %shift_right_arithmetic3A_26 = arith.constant 7 : i32
    %shift_right_arithmetic3A_27 = arith.shrsi %squeeze3A_25, %shift_right_arithmetic3A_26 : i32
    %mul3A_28 = arith.constant 128 : i32
    %mul3A_29 = arith.muli %shift_right_arithmetic3A_27, %mul3A_28 : i32
    %dma_start3A_30 = arith.constant 1 : i32
    %dma_start3A_31 = arith.constant 1 : i32
    %dma_start3A_32 = arith.constant 0 : i32
    %dma_start3A_33 = arith.constant 0 : i32
    %dma_start3A_34 = tpu.memref_slice %arg13[%dma_start3A_30, %dma_start3A_32, %dma_start3A_33] : memref<8x32x128xf32, #tpu.memory_space<vmem>> -> memref<1x32x128xf32, #tpu.memory_space<vmem>>
    %dma_start3A_35 = tpu.memref_squeeze %dma_start3A_34 : memref<1x32x128xf32, #tpu.memory_space<vmem>> -> memref<32x128xf32, #tpu.memory_space<vmem>>
    %dma_start3A_36 = arith.constant 0 : i32
    %dma_start3A_37 = tpu.memref_slice %arg4[%dma_start3A_36, %mul3A_29] : memref<32x1000001xf32, #tpu.memory_space<hbm>> -> memref<32x128xf32, #tpu.memory_space<hbm>>
    %dma_start3A_38 = tpu.memref_slice %arg18[%dma_start3A_31] : memref<8x!tpu.dma_semaphore, #tpu.memory_space<semaphore_mem>> -> memref<1x!tpu.dma_semaphore, #tpu.memory_space<semaphore_mem>>
    %dma_start3A_39 = tpu.memref_squeeze %dma_start3A_38 : memref<1x!tpu.dma_semaphore, #tpu.memory_space<semaphore_mem>> -> memref<!tpu.dma_semaphore, #tpu.memory_space<semaphore_mem>>
    %dma_start3A_40 = arith.constant 0 : i32
    %dma_start3A_41 = arith.constant 0 : i32
    %dma_start3A_42 = tpu.memref_slice %arg13[%dma_start3A_30, %dma_start3A_40, %dma_start3A_41] : memref<8x32x128xf32, #tpu.memory_space<vmem>> -> memref<1x32x128xf32, #tpu.memory_space<vmem>>
    %dma_start3A_43 = tpu.memref_squeeze %dma_start3A_42 : memref<1x32x128xf32, #tpu.memory_space<vmem>> -> memref<32x128xf32, #tpu.memory_space<vmem>>
    %dma_start3A_44 = arith.constant 0 : i32
    %dma_start3A_45 = tpu.memref_slice %arg4[%dma_start3A_44, %mul3A_29] : memref<32x1000001xf32, #tpu.memory_space<hbm>> -> memref<32x128xf32, #tpu.memory_space<hbm>>
    tpu.enqueue_dma source(%dma_start3A_45 : memref<32x128xf32, #tpu.memory_space<hbm>>) target(%dma_start3A_43 : memref<32x128xf32, #tpu.memory_space<vmem>>) target_semaphore(%dma_start3A_39 : memref<!tpu.dma_semaphore, #tpu.memory_space<semaphore_mem>>)
    %get3A_46 = arith.constant 2 : index
    %get3A_47 = tpu.vector_load %arg10[%get3A_46] {strides = array<i32>} : memref<528xi32, #tpu.memory_space<vmem>>, vector<16xi32>,
    %slice3A_48 = vector.extract_strided_slice %get3A_47 {offsets = [0], sizes = [1], strides = [1]} : vector<16xi32> to vector<1xi32>
    %squeeze3A_49 = vector.extract %slice3A_48[0] : i32 from vector<1xi32>
    %shift_right_arithmetic3A_50 = arith.constant 7 : i32
    %shift_right_arithmetic3A_51 = arith.shrsi %squeeze3A_49, %shift_right_arithmetic3A_50 : i32
    %mul3A_52 = arith.constant 128 : i32
    %mul3A_53 = arith.muli %shift_right_arithmetic3A_51, %mul3A_52 : i32
    %dma_start3A_54 = arith.constant 2 : i32
    %dma_start3A_55 = arith.constant 2 : i32
    %dma_start3A_56 = arith.constant 0 : i32
    %dma_start3A_57 = arith.constant 0 : i32
    %dma_start3A_58 = tpu.memref_slice %arg13[%dma_start3A_54, %dma_start3A_56, %dma_start3A_57] : memref<8x32x128xf32, #tpu.memory_space<vmem>> -> memref<1x32x128xf32, #tpu.memory_space<vmem>>
    %dma_start3A_59 = tpu.memref_squeeze %dma_start3A_58 : memref<1x32x128xf32, #tpu.memory_space<vmem>> -> memref<32x128xf32, #tpu.memory_space<vmem>>
    %dma_start3A_60 = arith.constant 0 : i32
    %dma_start3A_61 = tpu.memref_slice %arg4[%dma_start3A_60, %mul3A_53] : memref<32x1000001xf32, #tpu.memory_space<hbm>> -> memref<32x128xf32, #tpu.memory_space<hbm>>
    %dma_start3A_62 = tpu.memref_slice %arg18[%dma_start3A_55] : memref<8x!tpu.dma_semaphore, #tpu.memory_space<semaphore_mem>> -> memref<1x!tpu.dma_semaphore, #tpu.memory_space<semaphore_mem>>
    %dma_start3A_63 = tpu.memref_squeeze %dma_start3A_62 : memref<1x!tpu.dma_semaphore, #tpu.memory_space<semaphore_mem>> -> memref<!tpu.dma_semaphore, #tpu.memory_space<semaphore_mem>>
    %dma_start3A_64 = arith.constant 0 : i32
    %dma_start3A_65 = arith.constant 0 : i32
    %dma_start3A_66 = tpu.memref_slice %arg13[%dma_start3A_54, %dma_start3A_64, %dma_start3A_65] : memref<8x32x128xf32, #tpu.memory_space<vmem>> -> memref<1x32x128xf32, #tpu.memory_space<vmem>>
    %dma_start3A_67 = tpu.memref_squeeze %dma_start3A_66 : memref<1x32x128xf32, #tpu.memory_space<vmem>> -> memref<32x128xf32, #tpu.memory_space<vmem>>
    %dma_start3A_68 = arith.constant 0 : i32
    %dma_start3A_69 = tpu.memref_slice %arg4[%dma_start3A_68, %mul3A_53] : memref<32x1000001xf32, #tpu.memory_space<hbm>> -> memref<32x128xf32, #tpu.memory_space<hbm>>
    tpu.enqueue_dma source(%dma_start3A_69 : memref<32x128xf32, #tpu.memory_space<hbm>>) target(%dma_start3A_67 : memref<32x128xf32, #tpu.memory_space<vmem>>) target_semaphore(%dma_start3A_63 : memref<!tpu.dma_semaphore, #tpu.memory_space<semaphore_mem>>)
    %get3A_70 = arith.constant 3 : index
    %get3A_71 = tpu.vector_load %arg10[%get3A_70] {strides = array<i32>} : memref<528xi32, #tpu.memory_space<vmem>>, vector<16xi32>,
    %slice3A_72 = vector.extract_strided_slice %get3A_71 {offsets = [0], sizes = [1], strides = [1]} : vector<16xi32> to vector<1xi32>
    %squeeze3A_73 = vector.extract %slice3A_72[0] : i32 from vector<1xi32>
    %shift_right_arithmetic3A_74 = arith.constant 7 : i32
    %shift_right_arithmetic3A_75 = arith.shrsi %squeeze3A_73, %shift_right_arithmetic3A_74 : i32
    %mul3A_76 = arith.constant 128 : i32
    %mul3A_77 = arith.muli %shift_right_arithmetic3A_75, %mul3A_76 : i32
    %dma_start3A_78 = arith.constant 3 : i32
    %dma_start3A_79 = arith.constant 3 : i32
    %dma_start3A_80 = arith.constant 0 : i32
    %dma_start3A_81 = arith.constant 0 : i32
    %dma_start3A_82 = tpu.memref_slice %arg13[%dma_start3A_78, %dma_start3A_80, %dma_start3A_81] : memref<8x32x128xf32, #tpu.memory_space<vmem>> -> memref<1x32x128xf32, #tpu.memory_space<vmem>>
    %dma_start3A_83 = tpu.memref_squeeze %dma_start3A_82 : memref<1x32x128xf32, #tpu.memory_space<vmem>> -> memref<32x128xf32, #tpu.memory_space<vmem>>
    %dma_start3A_84 = arith.constant 0 : i32
    %dma_start3A_85 = tpu.memref_slice %arg4[%dma_start3A_84, %mul3A_77] : memref<32x1000001xf32, #tpu.memory_space<hbm>> -> memref<32x128xf32, #tpu.memory_space<hbm>>
    %dma_start3A_86 = tpu.memref_slice %arg18[%dma_start3A_79] : memref<8x!tpu.dma_semaphore, #tpu.memory_space<semaphore_mem>> -> memref<1x!tpu.dma_semaphore, #tpu.memory_space<semaphore_mem>>
    %dma_start3A_87 = tpu.memref_squeeze %dma_start3A_86 : memref<1x!tpu.dma_semaphore, #tpu.memory_space<semaphore_mem>> -> memref<!tpu.dma_semaphore, #tpu.memory_space<semaphore_mem>>
    %dma_start3A_88 = arith.constant 0 : i32
    %dma_start3A_89 = arith.constant 0 : i32
    %dma_start3A_90 = tpu.memref_slice %arg13[%dma_start3A_78, %dma_start3A_88, %dma_start3A_89] : memref<8x32x128xf32, #tpu.memory_space<vmem>> -> memref<1x32x128xf32, #tpu.memory_space<vmem>>
    %dma_start3A_91 = tpu.memref_squeeze %dma_start3A_90 : memref<1x32x128xf32, #tpu.memory_space<vmem>> -> memref<32x128xf32, #tpu.memory_space<vmem>>
    %dma_start3A_92 = arith.constant 0 : i32
    %dma_start3A_93 = tpu.memref_slice %arg4[%dma_start3A_92, %mul3A_77] : memref<32x1000001xf32, #tpu.memory_space<hbm>> -> memref<32x128xf32, #tpu.memory_space<hbm>>
    tpu.enqueue_dma source(%dma_start3A_93 : memref<32x128xf32, #tpu.memory_space<hbm>>) target(%dma_start3A_91 : memref<32x128xf32, #tpu.memory_space<vmem>>) target_semaphore(%dma_start3A_87 : memref<!tpu.dma_semaphore, #tpu.memory_space<semaphore_mem>>)
    %get3A_94 = arith.constant 4 : index
    %get3A_95 = tpu.vector_load %arg10[%get3A_94] {strides = array<i32>} : memref<528xi32, #tpu.memory_space<vmem>>, vector<16xi32>,
    %slice3A_96 = vector.extract_strided_slice %get3A_95 {offsets = [0], sizes = [1], strides = [1]} : vector<16xi32> to vector<1xi32>
    %squeeze3A_97 = vector.extract %slice3A_96[0] : i32 from vector<1xi32>
    %shift_right_arithmetic3A_98 = arith.constant 7 : i32
    %shift_right_arithmetic3A_99 = arith.shrsi %squeeze3A_97, %shift_right_arithmetic3A_98 : i32
    %mul3A_100 = arith.constant 128 : i32
    %mul3A_101 = arith.muli %shift_right_arithmetic3A_99, %mul3A_100 : i32
    %dma_start3A_102 = arith.constant 4 : i32
    %dma_start3A_103 = arith.constant 4 : i32
    %dma_start3A_104 = arith.constant 0 : i32
    %dma_start3A_105 = arith.constant 0 : i32
    %dma_start3A_106 = tpu.memref_slice %arg13[%dma_start3A_102, %dma_start3A_104, %dma_start3A_105] : memref<8x32x128xf32, #tpu.memory_space<vmem>> -> memref<1x32x128xf32, #tpu.memory_space<vmem>>
    %dma_start3A_107 = tpu.memref_squeeze %dma_start3A_106 : memref<1x32x128xf32, #tpu.memory_space<vmem>> -> memref<32x128xf32, #tpu.memory_space<vmem>>
    %dma_start3A_108 = arith.constant 0 : i32
    %dma_start3A_109 = tpu.memref_slice %arg4[%dma_start3A_108, %mul3A_101] : memref<32x1000001xf32, #tpu.memory_space<hbm>> -> memref<32x128xf32, #tpu.memory_space<hbm>>
    %dma_start3A_110 = tpu.memref_slice %arg18[%dma_start3A_103] : memref<8x!tpu.dma_semaphore, #tpu.memory_space<semaphore_mem>> -> memref<1x!tpu.dma_semaphore, #tpu.memory_space<semaphore_mem>>
    %dma_start3A_111 = tpu.memref_squeeze %dma_start3A_110 : memref<1x!tpu.dma_semaphore, #tpu.memory_space<semaphore_mem>> -> memref<!tpu.dma_semaphore, #tpu.memory_space<semaphore_mem>>
    %dma_start3A_112 = arith.constant 0 : i32
    %dma_start3A_113 = arith.constant 0 : i32
    %dma_start3A_114 = tpu.memref_slice %arg13[%dma_start3A_102, %dma_start3A_112, %dma_start3A_113] : memref<8x32x128xf32, #tpu.memory_space<vmem>> -> memref<1x32x128xf32, #tpu.memory_space<vmem>>
    %dma_start3A_115 = tpu.memref_squeeze %dma_start3A_114 : memref<1x32x128xf32, #tpu.memory_space<vmem>> -> memref<32x128xf32, #tpu.memory_space<vmem>>
    %dma_start3A_116 = arith.constant 0 : i32
    %dma_start3A_117 = tpu.memref_slice %arg4[%dma_start3A_116, %mul3A_101] : memref<32x1000001xf32, #tpu.memory_space<hbm>> -> memref<32x128xf32, #tpu.memory_space<hbm>>
    tpu.enqueue_dma source(%dma_start3A_117 : memref<32x128xf32, #tpu.memory_space<hbm>>) target(%dma_start3A_115 : memref<32x128xf32, #tpu.memory_space<vmem>>) target_semaphore(%dma_start3A_111 : memref<!tpu.dma_semaphore, #tpu.memory_space<semaphore_mem>>)
    %get3A_118 = arith.constant 5 : index
    %get3A_119 = tpu.vector_load %arg10[%get3A_118] {strides = array<i32>} : memref<528xi32, #tpu.memory_space<vmem>>, vector<16xi32>,
    %slice3A_120 = vector.extract_strided_slice %get3A_119 {offsets = [0], sizes = [1], strides = [1]} : vector<16xi32> to vector<1xi32>
    %squeeze3A_121 = vector.extract %slice3A_120[0] : i32 from vector<1xi32>
    %shift_right_arithmetic3A_122 = arith.constant 7 : i32
    %shift_right_arithmetic3A_123 = arith.shrsi %squeeze3A_121, %shift_right_arithmetic3A_122 : i32
    %mul3A_124 = arith.constant 128 : i32
    %mul3A_125 = arith.muli %shift_right_arithmetic3A_123, %mul3A_124 : i32
    %dma_start3A_126 = arith.constant 5 : i32
    %dma_start3A_127 = arith.constant 5 : i32
    %dma_start3A_128 = arith.constant 0 : i32
    %dma_start3A_129 = arith.constant 0 : i32
    %dma_start3A_130 = tpu.memref_slice %arg13[%dma_start3A_126, %dma_start3A_128, %dma_start3A_129] : memref<8x32x128xf32, #tpu.memory_space<vmem>> -> memref<1x32x128xf32, #tpu.memory_space<vmem>>
    %dma_start3A_131 = tpu.memref_squeeze %dma_start3A_130 : memref<1x32x128xf32, #tpu.memory_space<vmem>> -> memref<32x128xf32, #tpu.memory_space<vmem>>
    %dma_start3A_132 = arith.constant 0 : i32
    %dma_start3A_133 = tpu.memref_slice %arg4[%dma_start3A_132, %mul3A_125] : memref<32x1000001xf32, #tpu.memory_space<hbm>> -> memref<32x128xf32, #tpu.memory_space<hbm>>
    %dma_start3A_134 = tpu.memref_slice %arg18[%dma_start3A_127] : memref<8x!tpu.dma_semaphore, #tpu.memory_space<semaphore_mem>> -> memref<1x!tpu.dma_semaphore, #tpu.memory_space<semaphore_mem>>
    %dma_start3A_135 = tpu.memref_squeeze %dma_start3A_134 : memref<1x!tpu.dma_semaphore, #tpu.memory_space<semaphore_mem>> -> memref<!tpu.dma_semaphore, #tpu.memory_space<semaphore_mem>>
    %dma_start3A_136 = arith.constant 0 : i32
    %dma_start3A_137 = arith.constant 0 : i32
    %dma_start3A_138 = tpu.memref_slice %arg13[%dma_start3A_126, %dma_start3A_136, %dma_start3A_137] : memref<8x32x128xf32, #tpu.memory_space<vmem>> -> memref<1x32x128xf32, #tpu.memory_space<vmem>>
    %dma_start3A_139 = tpu.memref_squeeze %dma_start3A_138 : memref<1x32x128xf32, #tpu.memory_space<vmem>> -> memref<32x128xf32, #tpu.memory_space<vmem>>
    %dma_start3A_140 = arith.constant 0 : i32
    %dma_start3A_141 = tpu.memref_slice %arg4[%dma_start3A_140, %mul3A_125] : memref<32x1000001xf32, #tpu.memory_space<hbm>> -> memref<32x128xf32, #tpu.memory_space<hbm>>
    tpu.enqueue_dma source(%dma_start3A_141 : memref<32x128xf32, #tpu.memory_space<hbm>>) target(%dma_start3A_139 : memref<32x128xf32, #tpu.memory_space<vmem>>) target_semaphore(%dma_start3A_135 : memref<!tpu.dma_semaphore, #tpu.memory_space<semaphore_mem>>)
    %get3A_142 = arith.constant 6 : index
    %get3A_143 = tpu.vector_load %arg10[%get3A_142] {strides = array<i32>} : memref<528xi32, #tpu.memory_space<vmem>>, vector<16xi32>,
    %slice3A_144 = vector.extract_strided_slice %get3A_143 {offsets = [0], sizes = [1], strides = [1]} : vector<16xi32> to vector<1xi32>
    %squeeze3A_145 = vector.extract %slice3A_144[0] : i32 from vector<1xi32>
    %shift_right_arithmetic3A_146 = arith.constant 7 : i32
    %shift_right_arithmetic3A_147 = arith.shrsi %squeeze3A_145, %shift_right_arithmetic3A_146 : i32
    %mul3A_148 = arith.constant 128 : i32
    %mul3A_149 = arith.muli %shift_right_arithmetic3A_147, %mul3A_148 : i32
    %dma_start3A_150 = arith.constant 6 : i32
    %dma_start3A_151 = arith.constant 6 : i32
    %dma_start3A_152 = arith.constant 0 : i32
    %dma_start3A_153 = arith.constant 0 : i32
    %dma_start3A_154 = tpu.memref_slice %arg13[%dma_start3A_150, %dma_start3A_152, %dma_start3A_153] : memref<8x32x128xf32, #tpu.memory_space<vmem>> -> memref<1x32x128xf32, #tpu.memory_space<vmem>>
    %dma_start3A_155 = tpu.memref_squeeze %dma_start3A_154 : memref<1x32x128xf32, #tpu.memory_space<vmem>> -> memref<32x128xf32, #tpu.memory_space<vmem>>
    %dma_start3A_156 = arith.constant 0 : i32
    %dma_start3A_157 = tpu.memref_slice %arg4[%dma_start3A_156, %mul3A_149] : memref<32x1000001xf32, #tpu.memory_space<hbm>> -> memref<32x128xf32, #tpu.memory_space<hbm>>
    %dma_start3A_158 = tpu.memref_slice %arg18[%dma_start3A_151] : memref<8x!tpu.dma_semaphore, #tpu.memory_space<semaphore_mem>> -> memref<1x!tpu.dma_semaphore, #tpu.memory_space<semaphore_mem>>
    %dma_start3A_159 = tpu.memref_squeeze %dma_start3A_158 : memref<1x!tpu.dma_semaphore, #tpu.memory_space<semaphore_mem>> -> memref<!tpu.dma_semaphore, #tpu.memory_space<semaphore_mem>>
    %dma_start3A_160 = arith.constant 0 : i32
    %dma_start3A_161 = arith.constant 0 : i32
    %dma_start3A_162 = tpu.memref_slice %arg13[%dma_start3A_150, %dma_start3A_160, %dma_start3A_161] : memref<8x32x128xf32, #tpu.memory_space<vmem>> -> memref<1x32x128xf32, #tpu.memory_space<vmem>>
    %dma_start3A_163 = tpu.memref_squeeze %dma_start3A_162 : memref<1x32x128xf32, #tpu.memory_space<vmem>> -> memref<32x128xf32, #tpu.memory_space<vmem>>
    %dma_start3A_164 = arith.constant 0 : i32
    %dma_start3A_165 = tpu.memref_slice %arg4[%dma_start3A_164, %mul3A_149] : memref<32x1000001xf32, #tpu.memory_space<hbm>> -> memref<32x128xf32, #tpu.memory_space<hbm>>
    tpu.enqueue_dma source(%dma_start3A_165 : memref<32x128xf32, #tpu.memory_space<hbm>>) target(%dma_start3A_163 : memref<32x128xf32, #tpu.memory_space<vmem>>) target_semaphore(%dma_start3A_159 : memref<!tpu.dma_semaphore, #tpu.memory_space<semaphore_mem>>)
    %get3A_166 = arith.constant 7 : index
    %get3A_167 = tpu.vector_load %arg10[%get3A_166] {strides = array<i32>} : memref<528xi32, #tpu.memory_space<vmem>>, vector<16xi32>,
    %slice3A_168 = vector.extract_strided_slice %get3A_167 {offsets = [0], sizes = [1], strides = [1]} : vector<16xi32> to vector<1xi32>
    %squeeze3A_169 = vector.extract %slice3A_168[0] : i32 from vector<1xi32>
    %shift_right_arithmetic3A_170 = arith.constant 7 : i32
    %shift_right_arithmetic3A_171 = arith.shrsi %squeeze3A_169, %shift_right_arithmetic3A_170 : i32
    %mul3A_172 = arith.constant 128 : i32
    %mul3A_173 = arith.muli %shift_right_arithmetic3A_171, %mul3A_172 : i32
    %dma_start3A_174 = arith.constant 7 : i32
    %dma_start3A_175 = arith.constant 7 : i32
    %dma_start3A_176 = arith.constant 0 : i32
    %dma_start3A_177 = arith.constant 0 : i32
    %dma_start3A_178 = tpu.memref_slice %arg13[%dma_start3A_174, %dma_start3A_176, %dma_start3A_177] : memref<8x32x128xf32, #tpu.memory_space<vmem>> -> memref<1x32x128xf32, #tpu.memory_space<vmem>>
    %dma_start3A_179 = tpu.memref_squeeze %dma_start3A_178 : memref<1x32x128xf32, #tpu.memory_space<vmem>> -> memref<32x128xf32, #tpu.memory_space<vmem>>
    %dma_start3A_180 = arith.constant 0 : i32
    %dma_start3A_181 = tpu.memref_slice %arg4[%dma_start3A_180, %mul3A_173] : memref<32x1000001xf32, #tpu.memory_space<hbm>> -> memref<32x128xf32, #tpu.memory_space<hbm>>
    %dma_start3A_182 = tpu.memref_slice %arg18[%dma_start3A_175] : memref<8x!tpu.dma_semaphore, #tpu.memory_space<semaphore_mem>> -> memref<1x!tpu.dma_semaphore, #tpu.memory_space<semaphore_mem>>
    %dma_start3A_183 = tpu.memref_squeeze %dma_start3A_182 : memref<1x!tpu.dma_semaphore, #tpu.memory_space<semaphore_mem>> -> memref<!tpu.dma_semaphore, #tpu.memory_space<semaphore_mem>>
    %dma_start3A_184 = arith.constant 0 : i32
    %dma_start3A_185 = arith.constant 0 : i32
    %dma_start3A_186 = tpu.memref_slice %arg13[%dma_start3A_174, %dma_start3A_184, %dma_start3A_185] : memref<8x32x128xf32, #tpu.memory_space<vmem>> -> memref<1x32x128xf32, #tpu.memory_space<vmem>>
    %dma_start3A_187 = tpu.memref_squeeze %dma_start3A_186 : memref<1x32x128xf32, #tpu.memory_space<vmem>> -> memref<32x128xf32, #tpu.memory_space<vmem>>
    %dma_start3A_188 = arith.constant 0 : i32
    %dma_start3A_189 = tpu.memref_slice %arg4[%dma_start3A_188, %mul3A_173] : memref<32x1000001xf32, #tpu.memory_space<hbm>> -> memref<32x128xf32, #tpu.memory_space<hbm>>
    tpu.enqueue_dma source(%dma_start3A_189 : memref<32x128xf32, #tpu.memory_space<hbm>>) target(%dma_start3A_187 : memref<32x128xf32, #tpu.memory_space<vmem>>) target_semaphore(%dma_start3A_183 : memref<!tpu.dma_semaphore, #tpu.memory_space<semaphore_mem>>)
    %get3A_190 = arith.constant 0 : index
    %get3A_191 = tpu.vector_load %arg17[%get3A_190] {strides = array<i32>} : memref<32xf32, #tpu.memory_space<vmem>>, vector<16xf32>,
    %get3A_192 = arith.constant 16 : index
    %get3A_193 = tpu.vector_load %arg17[%get3A_192] {strides = array<i32>} : memref<32xf32, #tpu.memory_space<vmem>>, vector<16xf32>,
    tpu.wait_dma2 semaphore(%arg19 : memref<!tpu.dma_semaphore, #tpu.memory_space<semaphore_mem>>) src(%arg5 : memref<32768xf32, #tpu.memory_space<hbm>>) dst(%arg14 : memref<32768xf32, #tpu.memory_space<vmem>>)
    %scan3A = arith.constant 0 : i32
    %scan3A_194 = arith.constant 0 : i32
    %scan3A_195 = arith.constant 64 : i32
    %scan3A_196 = arith.addi %scan3A_194, %scan3A_195 : i32
    %scan3A_197 = arith.constant 1 : i32
    scf.for %scan3A_201 = %scan3A_194 to %scan3A_196 step %scan3A_197  : i32 {
      %and3A = arith.constant 1 : i32
      %and3A_202 = arith.andi %scan3A_201, %and3A : i32
      %eq3A = arith.constant 0 : i32
      %eq3A_203 = arith.cmpi eq, %and3A_202, %eq3A : i32
      %convert_element_type3A = arith.extui %eq3A_203 : i1 to i32
      %cond3A = arith.constant 0 : i32
      %cond3A_204 = arith.cmpi ne, %convert_element_type3A, %cond3A : i32
      scf.if %cond3A_204 {
        %shift_right_arithmetic3A_721 = arith.constant 1 : i32
        %shift_right_arithmetic3A_722 = arith.shrsi %scan3A_201, %shift_right_arithmetic3A_721 : i32
        %mul3A_723 = arith.constant 16 : i32
        %mul3A_724 = arith.muli %shift_right_arithmetic3A_722, %mul3A_723 : i32
        %multiple_of3A_725 = tpu.assume_multiple %mul3A_724, 16 : i32
        %get3A_726 = arith.index_cast %multiple_of3A_725 : i32 to index
        %get3A_727 = tpu.vector_load %arg11[%get3A_726] {strides = array<i32>} : memref<512xf32, #tpu.memory_space<vmem>>, vector<16xf32>,
        %broadcast_in_dim3A_728 = arith.constant 0 : i32
        %broadcast_in_dim3A_729 = vector.broadcast %broadcast_in_dim3A_728 : i32 to vector<16xi32>
        %add3A_730 = arith.constant 512 : i32
        %add3A_731 = vector.broadcast %add3A_730 : i32 to vector<16xi32>
        %add3A_732 = arith.addi %broadcast_in_dim3A_729, %add3A_731 : vector<16xi32>
        %sub3A = arith.constant 1 : i32
        %sub3A_733 = vector.broadcast %sub3A : i32 to vector<16xi32>
        %sub3A_734 = arith.subi %add3A_732, %sub3A_733 : vector<16xi32>
        %min3A = arith.constant 999 : i32
        %min3A_735 = vector.broadcast %min3A : i32 to vector<16xi32>
        %min3A_736 = arith.minsi %sub3A_734, %min3A_735 : vector<16xi32>
        %gather3A_737 = tpu.vector_load_idx %arg16[%min3A_736] : memref<1000xf32, #tpu.memory_space<vmem>>[vector<16xi32>], vector<16xf32>,
        %le3A = arith.constant 1000 : i32
        %le3A_738 = vector.broadcast %le3A : i32 to vector<16xi32>
        %le3A_739 = arith.cmpi sle, %add3A_732, %le3A_738 : vector<16xi32>
        %lt3A_740 = arith.cmpf olt, %gather3A_737, %get3A_727 : vector<16xf32>
        %and3A_741 = arith.andi %le3A_739, %lt3A_740 : vector<16xi1>
        %select_n3A = arith.select %and3A_741, %add3A_732, %broadcast_in_dim3A_729 : vector<16xi1>, vector<16xi32>
        %add3A_742 = arith.constant 256 : i32
        %add3A_743 = vector.broadcast %add3A_742 : i32 to vector<16xi32>
        %add3A_744 = arith.addi %select_n3A, %add3A_743 : vector<16xi32>
        %sub3A_745 = arith.constant 1 : i32
        %sub3A_746 = vector.broadcast %sub3A_745 : i32 to vector<16xi32>
        %sub3A_747 = arith.subi %add3A_744, %sub3A_746 : vector<16xi32>
        %min3A_748 = arith.constant 999 : i32
        %min3A_749 = vector.broadcast %min3A_748 : i32 to vector<16xi32>
        %min3A_750 = arith.minsi %sub3A_747, %min3A_749 : vector<16xi32>
        %gather3A_751 = tpu.vector_load_idx %arg16[%min3A_750] : memref<1000xf32, #tpu.memory_space<vmem>>[vector<16xi32>], vector<16xf32>,
        %le3A_752 = arith.constant 1000 : i32
        %le3A_753 = vector.broadcast %le3A_752 : i32 to vector<16xi32>
        %le3A_754 = arith.cmpi sle, %add3A_744, %le3A_753 : vector<16xi32>
        %lt3A_755 = arith.cmpf olt, %gather3A_751, %get3A_727 : vector<16xf32>
        %and3A_756 = arith.andi %le3A_754, %lt3A_755 : vector<16xi1>
        %select_n3A_757 = arith.select %and3A_756, %add3A_744, %select_n3A : vector<16xi1>, vector<16xi32>
        %add3A_758 = arith.constant 128 : i32
        %add3A_759 = vector.broadcast %add3A_758 : i32 to vector<16xi32>
        %add3A_760 = arith.addi %select_n3A_757, %add3A_759 : vector<16xi32>
        %sub3A_761 = arith.constant 1 : i32
        %sub3A_762 = vector.broadcast %sub3A_761 : i32 to vector<16xi32>
        %sub3A_763 = arith.subi %add3A_760, %sub3A_762 : vector<16xi32>
        %min3A_764 = arith.constant 999 : i32
        %min3A_765 = vector.broadcast %min3A_764 : i32 to vector<16xi32>
        %min3A_766 = arith.minsi %sub3A_763, %min3A_765 : vector<16xi32>
        %gather3A_767 = tpu.vector_load_idx %arg16[%min3A_766] : memref<1000xf32, #tpu.memory_space<vmem>>[vector<16xi32>], vector<16xf32>,
        %le3A_768 = arith.constant 1000 : i32
        %le3A_769 = vector.broadcast %le3A_768 : i32 to vector<16xi32>
        %le3A_770 = arith.cmpi sle, %add3A_760, %le3A_769 : vector<16xi32>
        %lt3A_771 = arith.cmpf olt, %gather3A_767, %get3A_727 : vector<16xf32>
        %and3A_772 = arith.andi %le3A_770, %lt3A_771 : vector<16xi1>
        %select_n3A_773 = arith.select %and3A_772, %add3A_760, %select_n3A_757 : vector<16xi1>, vector<16xi32>
        %add3A_774 = arith.constant 64 : i32
        %add3A_775 = vector.broadcast %add3A_774 : i32 to vector<16xi32>
        %add3A_776 = arith.addi %select_n3A_773, %add3A_775 : vector<16xi32>
        %sub3A_777 = arith.constant 1 : i32
        %sub3A_778 = vector.broadcast %sub3A_777 : i32 to vector<16xi32>
        %sub3A_779 = arith.subi %add3A_776, %sub3A_778 : vector<16xi32>
        %min3A_780 = arith.constant 999 : i32
        %min3A_781 = vector.broadcast %min3A_780 : i32 to vector<16xi32>
        %min3A_782 = arith.minsi %sub3A_779, %min3A_781 : vector<16xi32>
        %gather3A_783 = tpu.vector_load_idx %arg16[%min3A_782] : memref<1000xf32, #tpu.memory_space<vmem>>[vector<16xi32>], vector<16xf32>,
        %le3A_784 = arith.constant 1000 : i32
        %le3A_785 = vector.broadcast %le3A_784 : i32 to vector<16xi32>
        %le3A_786 = arith.cmpi sle, %add3A_776, %le3A_785 : vector<16xi32>
        %lt3A_787 = arith.cmpf olt, %gather3A_783, %get3A_727 : vector<16xf32>
        %and3A_788 = arith.andi %le3A_786, %lt3A_787 : vector<16xi1>
        %select_n3A_789 = arith.select %and3A_788, %add3A_776, %select_n3A_773 : vector<16xi1>, vector<16xi32>
        %add3A_790 = arith.constant 32 : i32
        %add3A_791 = vector.broadcast %add3A_790 : i32 to vector<16xi32>
        %add3A_792 = arith.addi %select_n3A_789, %add3A_791 : vector<16xi32>
        %sub3A_793 = arith.constant 1 : i32
        %sub3A_794 = vector.broadcast %sub3A_793 : i32 to vector<16xi32>
        %sub3A_795 = arith.subi %add3A_792, %sub3A_794 : vector<16xi32>
        %min3A_796 = arith.constant 999 : i32
        %min3A_797 = vector.broadcast %min3A_796 : i32 to vector<16xi32>
        %min3A_798 = arith.minsi %sub3A_795, %min3A_797 : vector<16xi32>
        %gather3A_799 = tpu.vector_load_idx %arg16[%min3A_798] : memref<1000xf32, #tpu.memory_space<vmem>>[vector<16xi32>], vector<16xf32>,
        %le3A_800 = arith.constant 1000 : i32
        %le3A_801 = vector.broadcast %le3A_800 : i32 to vector<16xi32>
        %le3A_802 = arith.cmpi sle, %add3A_792, %le3A_801 : vector<16xi32>
        %lt3A_803 = arith.cmpf olt, %gather3A_799, %get3A_727 : vector<16xf32>
        %and3A_804 = arith.andi %le3A_802, %lt3A_803 : vector<16xi1>
        %select_n3A_805 = arith.select %and3A_804, %add3A_792, %select_n3A_789 : vector<16xi1>, vector<16xi32>
        %add3A_806 = arith.constant 16 : i32
        %add3A_807 = vector.broadcast %add3A_806 : i32 to vector<16xi32>
        %add3A_808 = arith.addi %select_n3A_805, %add3A_807 : vector<16xi32>
        %sub3A_809 = arith.constant 1 : i32
        %sub3A_810 = vector.broadcast %sub3A_809 : i32 to vector<16xi32>
        %sub3A_811 = arith.subi %add3A_808, %sub3A_810 : vector<16xi32>
        %min3A_812 = arith.constant 999 : i32
        %min3A_813 = vector.broadcast %min3A_812 : i32 to vector<16xi32>
        %min3A_814 = arith.minsi %sub3A_811, %min3A_813 : vector<16xi32>
        %gather3A_815 = tpu.vector_load_idx %arg16[%min3A_814] : memref<1000xf32, #tpu.memory_space<vmem>>[vector<16xi32>], vector<16xf32>,
        %le3A_816 = arith.constant 1000 : i32
        %le3A_817 = vector.broadcast %le3A_816 : i32 to vector<16xi32>
        %le3A_818 = arith.cmpi sle, %add3A_808, %le3A_817 : vector<16xi32>
        %lt3A_819 = arith.cmpf olt, %gather3A_815, %get3A_727 : vector<16xf32>
        %and3A_820 = arith.andi %le3A_818, %lt3A_819 : vector<16xi1>
        %select_n3A_821 = arith.select %and3A_820, %add3A_808, %select_n3A_805 : vector<16xi1>, vector<16xi32>
        %add3A_822 = arith.constant 8 : i32
        %add3A_823 = vector.broadcast %add3A_822 : i32 to vector<16xi32>
        %add3A_824 = arith.addi %select_n3A_821, %add3A_823 : vector<16xi32>
        %sub3A_825 = arith.constant 1 : i32
        %sub3A_826 = vector.broadcast %sub3A_825 : i32 to vector<16xi32>
        %sub3A_827 = arith.subi %add3A_824, %sub3A_826 : vector<16xi32>
        %min3A_828 = arith.constant 999 : i32
        %min3A_829 = vector.broadcast %min3A_828 : i32 to vector<16xi32>
        %min3A_830 = arith.minsi %sub3A_827, %min3A_829 : vector<16xi32>
        %gather3A_831 = tpu.vector_load_idx %arg16[%min3A_830] : memref<1000xf32, #tpu.memory_space<vmem>>[vector<16xi32>], vector<16xf32>,
        %le3A_832 = arith.constant 1000 : i32
        %le3A_833 = vector.broadcast %le3A_832 : i32 to vector<16xi32>
        %le3A_834 = arith.cmpi sle, %add3A_824, %le3A_833 : vector<16xi32>
        %lt3A_835 = arith.cmpf olt, %gather3A_831, %get3A_727 : vector<16xf32>
        %and3A_836 = arith.andi %le3A_834, %lt3A_835 : vector<16xi1>
        %select_n3A_837 = arith.select %and3A_836, %add3A_824, %select_n3A_821 : vector<16xi1>, vector<16xi32>
        %add3A_838 = arith.constant 4 : i32
        %add3A_839 = vector.broadcast %add3A_838 : i32 to vector<16xi32>
        %add3A_840 = arith.addi %select_n3A_837, %add3A_839 : vector<16xi32>
        %sub3A_841 = arith.constant 1 : i32
        %sub3A_842 = vector.broadcast %sub3A_841 : i32 to vector<16xi32>
        %sub3A_843 = arith.subi %add3A_840, %sub3A_842 : vector<16xi32>
        %min3A_844 = arith.constant 999 : i32
        %min3A_845 = vector.broadcast %min3A_844 : i32 to vector<16xi32>
        %min3A_846 = arith.minsi %sub3A_843, %min3A_845 : vector<16xi32>
        %gather3A_847 = tpu.vector_load_idx %arg16[%min3A_846] : memref<1000xf32, #tpu.memory_space<vmem>>[vector<16xi32>], vector<16xf32>,
        %le3A_848 = arith.constant 1000 : i32
        %le3A_849 = vector.broadcast %le3A_848 : i32 to vector<16xi32>
        %le3A_850 = arith.cmpi sle, %add3A_840, %le3A_849 : vector<16xi32>
        %lt3A_851 = arith.cmpf olt, %gather3A_847, %get3A_727 : vector<16xf32>
        %and3A_852 = arith.andi %le3A_850, %lt3A_851 : vector<16xi1>
        %select_n3A_853 = arith.select %and3A_852, %add3A_840, %select_n3A_837 : vector<16xi1>, vector<16xi32>
        %add3A_854 = arith.constant 2 : i32
        %add3A_855 = vector.broadcast %add3A_854 : i32 to vector<16xi32>
        %add3A_856 = arith.addi %select_n3A_853, %add3A_855 : vector<16xi32>
        %sub3A_857 = arith.constant 1 : i32
        %sub3A_858 = vector.broadcast %sub3A_857 : i32 to vector<16xi32>
        %sub3A_859 = arith.subi %add3A_856, %sub3A_858 : vector<16xi32>
        %min3A_860 = arith.constant 999 : i32
        %min3A_861 = vector.broadcast %min3A_860 : i32 to vector<16xi32>
        %min3A_862 = arith.minsi %sub3A_859, %min3A_861 : vector<16xi32>
        %gather3A_863 = tpu.vector_load_idx %arg16[%min3A_862] : memref<1000xf32, #tpu.memory_space<vmem>>[vector<16xi32>], vector<16xf32>,
        %le3A_864 = arith.constant 1000 : i32
        %le3A_865 = vector.broadcast %le3A_864 : i32 to vector<16xi32>
        %le3A_866 = arith.cmpi sle, %add3A_856, %le3A_865 : vector<16xi32>
        %lt3A_867 = arith.cmpf olt, %gather3A_863, %get3A_727 : vector<16xf32>
        %and3A_868 = arith.andi %le3A_866, %lt3A_867 : vector<16xi1>
        %select_n3A_869 = arith.select %and3A_868, %add3A_856, %select_n3A_853 : vector<16xi1>, vector<16xi32>
        %add3A_870 = arith.constant 1 : i32
        %add3A_871 = vector.broadcast %add3A_870 : i32 to vector<16xi32>
        %add3A_872 = arith.addi %select_n3A_869, %add3A_871 : vector<16xi32>
        %sub3A_873 = arith.constant 1 : i32
        %sub3A_874 = vector.broadcast %sub3A_873 : i32 to vector<16xi32>
        %sub3A_875 = arith.subi %add3A_872, %sub3A_874 : vector<16xi32>
        %min3A_876 = arith.constant 999 : i32
        %min3A_877 = vector.broadcast %min3A_876 : i32 to vector<16xi32>
        %min3A_878 = arith.minsi %sub3A_875, %min3A_877 : vector<16xi32>
        %gather3A_879 = tpu.vector_load_idx %arg16[%min3A_878] : memref<1000xf32, #tpu.memory_space<vmem>>[vector<16xi32>], vector<16xf32>,
        %le3A_880 = arith.constant 1000 : i32
        %le3A_881 = vector.broadcast %le3A_880 : i32 to vector<16xi32>
        %le3A_882 = arith.cmpi sle, %add3A_872, %le3A_881 : vector<16xi32>
        %lt3A_883 = arith.cmpf olt, %gather3A_879, %get3A_727 : vector<16xf32>
        %and3A_884 = arith.andi %le3A_882, %lt3A_883 : vector<16xi1>
        %select_n3A_885 = arith.select %and3A_884, %add3A_872, %select_n3A_869 : vector<16xi1>, vector<16xi32>
        %mul3A_886 = arith.constant 32 : i32
        %mul3A_887 = vector.broadcast %mul3A_886 : i32 to vector<16xi32>
        %mul3A_888 = arith.muli %select_n3A_885, %mul3A_887 : vector<16xi32>
        %swap3A_889 = arith.index_cast %multiple_of3A_725 : i32 to index
        %swap3A_890 = tpu.vector_load %arg12[%swap3A_889] {strides = array<i32>} : memref<512xi32, #tpu.memory_space<vmem>>, vector<16xi32>,
        tpu.vector_store %arg12[%swap3A_889], %mul3A_888 {strides = array<i32>} : memref<512xi32, #tpu.memory_space<vmem>>, vector<16xi32>,
        %add3A_891 = vector.broadcast %multiple_of3A_725 : i32 to vector<16xi32>
        %add3A_892 = arith.addi %add3A_891, %iota3A : vector<16xi32>
        %mul3A_893 = arith.constant 72 : i32
        %mul3A_894 = vector.broadcast %mul3A_893 : i32 to vector<16xi32>
        %mul3A_895 = arith.muli %add3A_892, %mul3A_894 : vector<16xi32>
        %add3A_896 = arith.constant 64 : i32
        %add3A_897 = vector.broadcast %add3A_896 : i32 to vector<16xi32>
        %add3A_898 = arith.addi %mul3A_895, %add3A_897 : vector<16xi32>
        %sub3A_899 = arith.subf %get3A_727, %get3A_191 : vector<16xf32>
        %mul3A_900 = arith.mulf %sub3A_899, %get3A_193 : vector<16xf32>
        tpu.vector_store_idx %arg15[%add3A_898], %mul3A_900 : memref<36864xf32, #tpu.memory_space<vmem>>[vector<16xi32>], vector<16xf32>,
      } else {
      }
      %and3A_205 = arith.constant 1 : i32
      %and3A_206 = arith.andi %scan3A_201, %and3A_205 : i32
      %eq3A_207 = arith.constant 1 : i32
      %eq3A_208 = arith.cmpi eq, %and3A_206, %eq3A_207 : i32
      %convert_element_type3A_209 = arith.extui %eq3A_208 : i1 to i32
      %cond3A_210 = arith.constant 0 : i32
      %cond3A_211 = arith.cmpi ne, %convert_element_type3A_209, %cond3A_210 : i32
      scf.if %cond3A_211 {
        %shift_right_arithmetic3A_721 = arith.constant 1 : i32
        %shift_right_arithmetic3A_722 = arith.shrsi %scan3A_201, %shift_right_arithmetic3A_721 : i32
        %mul3A_723 = arith.constant 16 : i32
        %mul3A_724 = arith.muli %shift_right_arithmetic3A_722, %mul3A_723 : i32
        %multiple_of3A_725 = tpu.assume_multiple %mul3A_724, 16 : i32
        %get3A_726 = arith.index_cast %multiple_of3A_725 : i32 to index
        %get3A_727 = tpu.vector_load %arg12[%get3A_726] {strides = array<i32>} : memref<512xi32, #tpu.memory_space<vmem>>, vector<16xi32>,
        %slice3A_728 = vector.extract_strided_slice %get3A_727 {offsets = [0], sizes = [1], strides = [1]} : vector<16xi32> to vector<1xi32>
        %squeeze3A_729 = vector.extract %slice3A_728[0] : i32 from vector<1xi32>
        %multiple_of3A_730 = tpu.assume_multiple %squeeze3A_729, 32 : i32
        %add3A_731 = arith.constant 0 : i32
        %add3A_732 = arith.addi %multiple_of3A_725, %add3A_731 : i32
        %mul3A_733 = arith.constant 72 : i32
        %mul3A_734 = arith.muli %add3A_732, %mul3A_733 : i32
        %multiple_of3A_735 = tpu.assume_multiple %mul3A_734, 8 : i32
        %get3A_736 = arith.index_cast %multiple_of3A_730 : i32 to index
        %get3A_737 = tpu.vector_load %arg14[%get3A_736] {strides = array<i32>} : memref<32768xf32, #tpu.memory_space<vmem>>, vector<16xf32>,
        %add3A_738 = arith.constant 32 : i32
        %add3A_739 = arith.addi %multiple_of3A_735, %add3A_738 : i32
        %swap3A_740 = arith.index_cast %add3A_739 : i32 to index
        %swap3A_741 = tpu.vector_load %arg15[%swap3A_740] {strides = array<i32>} : memref<36864xf32, #tpu.memory_space<vmem>>, vector<16xf32>,
        tpu.vector_store %arg15[%swap3A_740], %get3A_737 {strides = array<i32>} : memref<36864xf32, #tpu.memory_space<vmem>>, vector<16xf32>,
        %add3A_742 = arith.constant 16 : i32
        %add3A_743 = arith.addi %multiple_of3A_730, %add3A_742 : i32
        %get3A_744 = arith.index_cast %add3A_743 : i32 to index
        %get3A_745 = tpu.vector_load %arg14[%get3A_744] {strides = array<i32>} : memref<32768xf32, #tpu.memory_space<vmem>>, vector<16xf32>,
        %add3A_746 = arith.constant 48 : i32
        %add3A_747 = arith.addi %multiple_of3A_735, %add3A_746 : i32
        %swap3A_748 = arith.index_cast %add3A_747 : i32 to index
        %swap3A_749 = tpu.vector_load %arg15[%swap3A_748] {strides = array<i32>} : memref<36864xf32, #tpu.memory_space<vmem>>, vector<16xf32>,
        tpu.vector_store %arg15[%swap3A_748], %get3A_745 {strides = array<i32>} : memref<36864xf32, #tpu.memory_space<vmem>>, vector<16xf32>,
        %slice3A_750 = vector.extract_strided_slice %get3A_727 {offsets = [1], sizes = [1], strides = [1]} : vector<16xi32> to vector<1xi32>
        %squeeze3A_751 = vector.extract %slice3A_750[0] : i32 from vector<1xi32>
        %multiple_of3A_752 = tpu.assume_multiple %squeeze3A_751, 32 : i32
        %add3A_753 = arith.constant 1 : i32
        %add3A_754 = arith.addi %multiple_of3A_725, %add3A_753 : i32
        %mul3A_755 = arith.constant 72 : i32
        %mul3A_756 = arith.muli %add3A_754, %mul3A_755 : i32
        %multiple_of3A_757 = tpu.assume_multiple %mul3A_756, 8 : i32
        %get3A_758 = arith.index_cast %multiple_of3A_752 : i32 to index
        %get3A_759 = tpu.vector_load %arg14[%get3A_758] {strides = array<i32>} : memref<32768xf32, #tpu.memory_space<vmem>>, vector<16xf32>,
        %add3A_760 = arith.constant 32 : i32
        %add3A_761 = arith.addi %multiple_of3A_757, %add3A_760 : i32
        %swap3A_762 = arith.index_cast %add3A_761 : i32 to index
        %swap3A_763 = tpu.vector_load %arg15[%swap3A_762] {strides = array<i32>} : memref<36864xf32, #tpu.memory_space<vmem>>, vector<16xf32>,
        tpu.vector_store %arg15[%swap3A_762], %get3A_759 {strides = array<i32>} : memref<36864xf32, #tpu.memory_space<vmem>>, vector<16xf32>,
        %add3A_764 = arith.constant 16 : i32
        %add3A_765 = arith.addi %multiple_of3A_752, %add3A_764 : i32
        %get3A_766 = arith.index_cast %add3A_765 : i32 to index
        %get3A_767 = tpu.vector_load %arg14[%get3A_766] {strides = array<i32>} : memref<32768xf32, #tpu.memory_space<vmem>>, vector<16xf32>,
        %add3A_768 = arith.constant 48 : i32
        %add3A_769 = arith.addi %multiple_of3A_757, %add3A_768 : i32
        %swap3A_770 = arith.index_cast %add3A_769 : i32 to index
        %swap3A_771 = tpu.vector_load %arg15[%swap3A_770] {strides = array<i32>} : memref<36864xf32, #tpu.memory_space<vmem>>, vector<16xf32>,
        tpu.vector_store %arg15[%swap3A_770], %get3A_767 {strides = array<i32>} : memref<36864xf32, #tpu.memory_space<vmem>>, vector<16xf32>,
        %slice3A_772 = vector.extract_strided_slice %get3A_727 {offsets = [2], sizes = [1], strides = [1]} : vector<16xi32> to vector<1xi32>
        %squeeze3A_773 = vector.extract %slice3A_772[0] : i32 from vector<1xi32>
        %multiple_of3A_774 = tpu.assume_multiple %squeeze3A_773, 32 : i32
        %add3A_775 = arith.constant 2 : i32
        %add3A_776 = arith.addi %multiple_of3A_725, %add3A_775 : i32
        %mul3A_777 = arith.constant 72 : i32
        %mul3A_778 = arith.muli %add3A_776, %mul3A_777 : i32
        %multiple_of3A_779 = tpu.assume_multiple %mul3A_778, 8 : i32
        %get3A_780 = arith.index_cast %multiple_of3A_774 : i32 to index
        %get3A_781 = tpu.vector_load %arg14[%get3A_780] {strides = array<i32>} : memref<32768xf32, #tpu.memory_space<vmem>>, vector<16xf32>,
        %add3A_782 = arith.constant 32 : i32
        %add3A_783 = arith.addi %multiple_of3A_779, %add3A_782 : i32
        %swap3A_784 = arith.index_cast %add3A_783 : i32 to index
        %swap3A_785 = tpu.vector_load %arg15[%swap3A_784] {strides = array<i32>} : memref<36864xf32, #tpu.memory_space<vmem>>, vector<16xf32>,
        tpu.vector_store %arg15[%swap3A_784], %get3A_781 {strides = array<i32>} : memref<36864xf32, #tpu.memory_space<vmem>>, vector<16xf32>,
        %add3A_786 = arith.constant 16 : i32
        %add3A_787 = arith.addi %multiple_of3A_774, %add3A_786 : i32
        %get3A_788 = arith.index_cast %add3A_787 : i32 to index
        %get3A_789 = tpu.vector_load %arg14[%get3A_788] {strides = array<i32>} : memref<32768xf32, #tpu.memory_space<vmem>>, vector<16xf32>,
        %add3A_790 = arith.constant 48 : i32
        %add3A_791 = arith.addi %multiple_of3A_779, %add3A_790 : i32
        %swap3A_792 = arith.index_cast %add3A_791 : i32 to index
        %swap3A_793 = tpu.vector_load %arg15[%swap3A_792] {strides = array<i32>} : memref<36864xf32, #tpu.memory_space<vmem>>, vector<16xf32>,
        tpu.vector_store %arg15[%swap3A_792], %get3A_789 {strides = array<i32>} : memref<36864xf32, #tpu.memory_space<vmem>>, vector<16xf32>,
        %slice3A_794 = vector.extract_strided_slice %get3A_727 {offsets = [3], sizes = [1], strides = [1]} : vector<16xi32> to vector<1xi32>
        %squeeze3A_795 = vector.extract %slice3A_794[0] : i32 from vector<1xi32>
        %multiple_of3A_796 = tpu.assume_multiple %squeeze3A_795, 32 : i32
        %add3A_797 = arith.constant 3 : i32
        %add3A_798 = arith.addi %multiple_of3A_725, %add3A_797 : i32
        %mul3A_799 = arith.constant 72 : i32
        %mul3A_800 = arith.muli %add3A_798, %mul3A_799 : i32
        %multiple_of3A_801 = tpu.assume_multiple %mul3A_800, 8 : i32
        %get3A_802 = arith.index_cast %multiple_of3A_796 : i32 to index
        %get3A_803 = tpu.vector_load %arg14[%get3A_802] {strides = array<i32>} : memref<32768xf32, #tpu.memory_space<vmem>>, vector<16xf32>,
        %add3A_804 = arith.constant 32 : i32
        %add3A_805 = arith.addi %multiple_of3A_801, %add3A_804 : i32
        %swap3A_806 = arith.index_cast %add3A_805 : i32 to index
        %swap3A_807 = tpu.vector_load %arg15[%swap3A_806] {strides = array<i32>} : memref<36864xf32, #tpu.memory_space<vmem>>, vector<16xf32>,
        tpu.vector_store %arg15[%swap3A_806], %get3A_803 {strides = array<i32>} : memref<36864xf32, #tpu.memory_space<vmem>>, vector<16xf32>,
        %add3A_808 = arith.constant 16 : i32
        %add3A_809 = arith.addi %multiple_of3A_796, %add3A_808 : i32
        %get3A_810 = arith.index_cast %add3A_809 : i32 to index
        %get3A_811 = tpu.vector_load %arg14[%get3A_810] {strides = array<i32>} : memref<32768xf32, #tpu.memory_space<vmem>>, vector<16xf32>,
        %add3A_812 = arith.constant 48 : i32
        %add3A_813 = arith.addi %multiple_of3A_801, %add3A_812 : i32
        %swap3A_814 = arith.index_cast %add3A_813 : i32 to index
        %swap3A_815 = tpu.vector_load %arg15[%swap3A_814] {strides = array<i32>} : memref<36864xf32, #tpu.memory_space<vmem>>, vector<16xf32>,
        tpu.vector_store %arg15[%swap3A_814], %get3A_811 {strides = array<i32>} : memref<36864xf32, #tpu.memory_space<vmem>>, vector<16xf32>,
        %slice3A_816 = vector.extract_strided_slice %get3A_727 {offsets = [4], sizes = [1], strides = [1]} : vector<16xi32> to vector<1xi32>
        %squeeze3A_817 = vector.extract %slice3A_816[0] : i32 from vector<1xi32>
        %multiple_of3A_818 = tpu.assume_multiple %squeeze3A_817, 32 : i32
        %add3A_819 = arith.constant 4 : i32
        %add3A_820 = arith.addi %multiple_of3A_725, %add3A_819 : i32
        %mul3A_821 = arith.constant 72 : i32
        %mul3A_822 = arith.muli %add3A_820, %mul3A_821 : i32
        %multiple_of3A_823 = tpu.assume_multiple %mul3A_822, 8 : i32
        %get3A_824 = arith.index_cast %multiple_of3A_818 : i32 to index
        %get3A_825 = tpu.vector_load %arg14[%get3A_824] {strides = array<i32>} : memref<32768xf32, #tpu.memory_space<vmem>>, vector<16xf32>,
        %add3A_826 = arith.constant 32 : i32
        %add3A_827 = arith.addi %multiple_of3A_823, %add3A_826 : i32
        %swap3A_828 = arith.index_cast %add3A_827 : i32 to index
        %swap3A_829 = tpu.vector_load %arg15[%swap3A_828] {strides = array<i32>} : memref<36864xf32, #tpu.memory_space<vmem>>, vector<16xf32>,
        tpu.vector_store %arg15[%swap3A_828], %get3A_825 {strides = array<i32>} : memref<36864xf32, #tpu.memory_space<vmem>>, vector<16xf32>,
        %add3A_830 = arith.constant 16 : i32
        %add3A_831 = arith.addi %multiple_of3A_818, %add3A_830 : i32
        %get3A_832 = arith.index_cast %add3A_831 : i32 to index
        %get3A_833 = tpu.vector_load %arg14[%get3A_832] {strides = array<i32>} : memref<32768xf32, #tpu.memory_space<vmem>>, vector<16xf32>,
        %add3A_834 = arith.constant 48 : i32
        %add3A_835 = arith.addi %multiple_of3A_823, %add3A_834 : i32
        %swap3A_836 = arith.index_cast %add3A_835 : i32 to index
        %swap3A_837 = tpu.vector_load %arg15[%swap3A_836] {strides = array<i32>} : memref<36864xf32, #tpu.memory_space<vmem>>, vector<16xf32>,
        tpu.vector_store %arg15[%swap3A_836], %get3A_833 {strides = array<i32>} : memref<36864xf32, #tpu.memory_space<vmem>>, vector<16xf32>,
        %slice3A_838 = vector.extract_strided_slice %get3A_727 {offsets = [5], sizes = [1], strides = [1]} : vector<16xi32> to vector<1xi32>
        %squeeze3A_839 = vector.extract %slice3A_838[0] : i32 from vector<1xi32>
        %multiple_of3A_840 = tpu.assume_multiple %squeeze3A_839, 32 : i32
        %add3A_841 = arith.constant 5 : i32
        %add3A_842 = arith.addi %multiple_of3A_725, %add3A_841 : i32
        %mul3A_843 = arith.constant 72 : i32
        %mul3A_844 = arith.muli %add3A_842, %mul3A_843 : i32
        %multiple_of3A_845 = tpu.assume_multiple %mul3A_844, 8 : i32
        %get3A_846 = arith.index_cast %multiple_of3A_840 : i32 to index
        %get3A_847 = tpu.vector_load %arg14[%get3A_846] {strides = array<i32>} : memref<32768xf32, #tpu.memory_space<vmem>>, vector<16xf32>,
        %add3A_848 = arith.constant 32 : i32
        %add3A_849 = arith.addi %multiple_of3A_845, %add3A_848 : i32
        %swap3A_850 = arith.index_cast %add3A_849 : i32 to index
        %swap3A_851 = tpu.vector_load %arg15[%swap3A_850] {strides = array<i32>} : memref<36864xf32, #tpu.memory_space<vmem>>, vector<16xf32>,
        tpu.vector_store %arg15[%swap3A_850], %get3A_847 {strides = array<i32>} : memref<36864xf32, #tpu.memory_space<vmem>>, vector<16xf32>,
        %add3A_852 = arith.constant 16 : i32
        %add3A_853 = arith.addi %multiple_of3A_840, %add3A_852 : i32
        %get3A_854 = arith.index_cast %add3A_853 : i32 to index
        %get3A_855 = tpu.vector_load %arg14[%get3A_854] {strides = array<i32>} : memref<32768xf32, #tpu.memory_space<vmem>>, vector<16xf32>,
        %add3A_856 = arith.constant 48 : i32
        %add3A_857 = arith.addi %multiple_of3A_845, %add3A_856 : i32
        %swap3A_858 = arith.index_cast %add3A_857 : i32 to index
        %swap3A_859 = tpu.vector_load %arg15[%swap3A_858] {strides = array<i32>} : memref<36864xf32, #tpu.memory_space<vmem>>, vector<16xf32>,
        tpu.vector_store %arg15[%swap3A_858], %get3A_855 {strides = array<i32>} : memref<36864xf32, #tpu.memory_space<vmem>>, vector<16xf32>,
        %slice3A_860 = vector.extract_strided_slice %get3A_727 {offsets = [6], sizes = [1], strides = [1]} : vector<16xi32> to vector<1xi32>
        %squeeze3A_861 = vector.extract %slice3A_860[0] : i32 from vector<1xi32>
        %multiple_of3A_862 = tpu.assume_multiple %squeeze3A_861, 32 : i32
        %add3A_863 = arith.constant 6 : i32
        %add3A_864 = arith.addi %multiple_of3A_725, %add3A_863 : i32
        %mul3A_865 = arith.constant 72 : i32
        %mul3A_866 = arith.muli %add3A_864, %mul3A_865 : i32
        %multiple_of3A_867 = tpu.assume_multiple %mul3A_866, 8 : i32
        %get3A_868 = arith.index_cast %multiple_of3A_862 : i32 to index
        %get3A_869 = tpu.vector_load %arg14[%get3A_868] {strides = array<i32>} : memref<32768xf32, #tpu.memory_space<vmem>>, vector<16xf32>,
        %add3A_870 = arith.constant 32 : i32
        %add3A_871 = arith.addi %multiple_of3A_867, %add3A_870 : i32
        %swap3A_872 = arith.index_cast %add3A_871 : i32 to index
        %swap3A_873 = tpu.vector_load %arg15[%swap3A_872] {strides = array<i32>} : memref<36864xf32, #tpu.memory_space<vmem>>, vector<16xf32>,
        tpu.vector_store %arg15[%swap3A_872], %get3A_869 {strides = array<i32>} : memref<36864xf32, #tpu.memory_space<vmem>>, vector<16xf32>,
        %add3A_874 = arith.constant 16 : i32
        %add3A_875 = arith.addi %multiple_of3A_862, %add3A_874 : i32
        %get3A_876 = arith.index_cast %add3A_875 : i32 to index
        %get3A_877 = tpu.vector_load %arg14[%get3A_876] {strides = array<i32>} : memref<32768xf32, #tpu.memory_space<vmem>>, vector<16xf32>,
        %add3A_878 = arith.constant 48 : i32
        %add3A_879 = arith.addi %multiple_of3A_867, %add3A_878 : i32
        %swap3A_880 = arith.index_cast %add3A_879 : i32 to index
        %swap3A_881 = tpu.vector_load %arg15[%swap3A_880] {strides = array<i32>} : memref<36864xf32, #tpu.memory_space<vmem>>, vector<16xf32>,
        tpu.vector_store %arg15[%swap3A_880], %get3A_877 {strides = array<i32>} : memref<36864xf32, #tpu.memory_space<vmem>>, vector<16xf32>,
        %slice3A_882 = vector.extract_strided_slice %get3A_727 {offsets = [7], sizes = [1], strides = [1]} : vector<16xi32> to vector<1xi32>
        %squeeze3A_883 = vector.extract %slice3A_882[0] : i32 from vector<1xi32>
        %multiple_of3A_884 = tpu.assume_multiple %squeeze3A_883, 32 : i32
        %add3A_885 = arith.constant 7 : i32
        %add3A_886 = arith.addi %multiple_of3A_725, %add3A_885 : i32
        %mul3A_887 = arith.constant 72 : i32
        %mul3A_888 = arith.muli %add3A_886, %mul3A_887 : i32
        %multiple_of3A_889 = tpu.assume_multiple %mul3A_888, 8 : i32
        %get3A_890 = arith.index_cast %multiple_of3A_884 : i32 to index
        %get3A_891 = tpu.vector_load %arg14[%get3A_890] {strides = array<i32>} : memref<32768xf32, #tpu.memory_space<vmem>>, vector<16xf32>,
        %add3A_892 = arith.constant 32 : i32
        %add3A_893 = arith.addi %multiple_of3A_889, %add3A_892 : i32
        %swap3A_894 = arith.index_cast %add3A_893 : i32 to index
        %swap3A_895 = tpu.vector_load %arg15[%swap3A_894] {strides = array<i32>} : memref<36864xf32, #tpu.memory_space<vmem>>, vector<16xf32>,
        tpu.vector_store %arg15[%swap3A_894], %get3A_891 {strides = array<i32>} : memref<36864xf32, #tpu.memory_space<vmem>>, vector<16xf32>,
        %add3A_896 = arith.constant 16 : i32
        %add3A_897 = arith.addi %multiple_of3A_884, %add3A_896 : i32
        %get3A_898 = arith.index_cast %add3A_897 : i32 to index
        %get3A_899 = tpu.vector_load %arg14[%get3A_898] {strides = array<i32>} : memref<32768xf32, #tpu.memory_space<vmem>>, vector<16xf32>,
        %add3A_900 = arith.constant 48 : i32
        %add3A_901 = arith.addi %multiple_of3A_889, %add3A_900 : i32
        %swap3A_902 = arith.index_cast %add3A_901 : i32 to index
        %swap3A_903 = tpu.vector_load %arg15[%swap3A_902] {strides = array<i32>} : memref<36864xf32, #tpu.memory_space<vmem>>, vector<16xf32>,
        tpu.vector_store %arg15[%swap3A_902], %get3A_899 {strides = array<i32>} : memref<36864xf32, #tpu.memory_space<vmem>>, vector<16xf32>,
        %slice3A_904 = vector.extract_strided_slice %get3A_727 {offsets = [8], sizes = [1], strides = [1]} : vector<16xi32> to vector<1xi32>
        %squeeze3A_905 = vector.extract %slice3A_904[0] : i32 from vector<1xi32>
        %multiple_of3A_906 = tpu.assume_multiple %squeeze3A_905, 32 : i32
        %add3A_907 = arith.constant 8 : i32
        %add3A_908 = arith.addi %multiple_of3A_725, %add3A_907 : i32
        %mul3A_909 = arith.constant 72 : i32
        %mul3A_910 = arith.muli %add3A_908, %mul3A_909 : i32
        %multiple_of3A_911 = tpu.assume_multiple %mul3A_910, 8 : i32
        %get3A_912 = arith.index_cast %multiple_of3A_906 : i32 to index
        %get3A_913 = tpu.vector_load %arg14[%get3A_912] {strides = array<i32>} : memref<32768xf32, #tpu.memory_space<vmem>>, vector<16xf32>,
        %add3A_914 = arith.constant 32 : i32
        %add3A_915 = arith.addi %multiple_of3A_911, %add3A_914 : i32
        %swap3A_916 = arith.index_cast %add3A_915 : i32 to index
        %swap3A_917 = tpu.vector_load %arg15[%swap3A_916] {strides = array<i32>} : memref<36864xf32, #tpu.memory_space<vmem>>, vector<16xf32>,
        tpu.vector_store %arg15[%swap3A_916], %get3A_913 {strides = array<i32>} : memref<36864xf32, #tpu.memory_space<vmem>>, vector<16xf32>,
        %add3A_918 = arith.constant 16 : i32
        %add3A_919 = arith.addi %multiple_of3A_906, %add3A_918 : i32
        %get3A_920 = arith.index_cast %add3A_919 : i32 to index
        %get3A_921 = tpu.vector_load %arg14[%get3A_920] {strides = array<i32>} : memref<32768xf32, #tpu.memory_space<vmem>>, vector<16xf32>,
        %add3A_922 = arith.constant 48 : i32
        %add3A_923 = arith.addi %multiple_of3A_911, %add3A_922 : i32
        %swap3A_924 = arith.index_cast %add3A_923 : i32 to index
        %swap3A_925 = tpu.vector_load %arg15[%swap3A_924] {strides = array<i32>} : memref<36864xf32, #tpu.memory_space<vmem>>, vector<16xf32>,
        tpu.vector_store %arg15[%swap3A_924], %get3A_921 {strides = array<i32>} : memref<36864xf32, #tpu.memory_space<vmem>>, vector<16xf32>,
        %slice3A_926 = vector.extract_strided_slice %get3A_727 {offsets = [9], sizes = [1], strides = [1]} : vector<16xi32> to vector<1xi32>
        %squeeze3A_927 = vector.extract %slice3A_926[0] : i32 from vector<1xi32>
        %multiple_of3A_928 = tpu.assume_multiple %squeeze3A_927, 32 : i32
        %add3A_929 = arith.constant 9 : i32
        %add3A_930 = arith.addi %multiple_of3A_725, %add3A_929 : i32
        %mul3A_931 = arith.constant 72 : i32
        %mul3A_932 = arith.muli %add3A_930, %mul3A_931 : i32
        %multiple_of3A_933 = tpu.assume_multiple %mul3A_932, 8 : i32
        %get3A_934 = arith.index_cast %multiple_of3A_928 : i32 to index
        %get3A_935 = tpu.vector_load %arg14[%get3A_934] {strides = array<i32>} : memref<32768xf32, #tpu.memory_space<vmem>>, vector<16xf32>,
        %add3A_936 = arith.constant 32 : i32
        %add3A_937 = arith.addi %multiple_of3A_933, %add3A_936 : i32
        %swap3A_938 = arith.index_cast %add3A_937 : i32 to index
        %swap3A_939 = tpu.vector_load %arg15[%swap3A_938] {strides = array<i32>} : memref<36864xf32, #tpu.memory_space<vmem>>, vector<16xf32>,
        tpu.vector_store %arg15[%swap3A_938], %get3A_935 {strides = array<i32>} : memref<36864xf32, #tpu.memory_space<vmem>>, vector<16xf32>,
        %add3A_940 = arith.constant 16 : i32
        %add3A_941 = arith.addi %multiple_of3A_928, %add3A_940 : i32
        %get3A_942 = arith.index_cast %add3A_941 : i32 to index
        %get3A_943 = tpu.vector_load %arg14[%get3A_942] {strides = array<i32>} : memref<32768xf32, #tpu.memory_space<vmem>>, vector<16xf32>,
        %add3A_944 = arith.constant 48 : i32
        %add3A_945 = arith.addi %multiple_of3A_933, %add3A_944 : i32
        %swap3A_946 = arith.index_cast %add3A_945 : i32 to index
        %swap3A_947 = tpu.vector_load %arg15[%swap3A_946] {strides = array<i32>} : memref<36864xf32, #tpu.memory_space<vmem>>, vector<16xf32>,
        tpu.vector_store %arg15[%swap3A_946], %get3A_943 {strides = array<i32>} : memref<36864xf32, #tpu.memory_space<vmem>>, vector<16xf32>,
        %slice3A_948 = vector.extract_strided_slice %get3A_727 {offsets = [10], sizes = [1], strides = [1]} : vector<16xi32> to vector<1xi32>
        %squeeze3A_949 = vector.extract %slice3A_948[0] : i32 from vector<1xi32>
        %multiple_of3A_950 = tpu.assume_multiple %squeeze3A_949, 32 : i32
        %add3A_951 = arith.constant 10 : i32
        %add3A_952 = arith.addi %multiple_of3A_725, %add3A_951 : i32
        %mul3A_953 = arith.constant 72 : i32
        %mul3A_954 = arith.muli %add3A_952, %mul3A_953 : i32
        %multiple_of3A_955 = tpu.assume_multiple %mul3A_954, 8 : i32
        %get3A_956 = arith.index_cast %multiple_of3A_950 : i32 to index
        %get3A_957 = tpu.vector_load %arg14[%get3A_956] {strides = array<i32>} : memref<32768xf32, #tpu.memory_space<vmem>>, vector<16xf32>,
        %add3A_958 = arith.constant 32 : i32
        %add3A_959 = arith.addi %multiple_of3A_955, %add3A_958 : i32
        %swap3A_960 = arith.index_cast %add3A_959 : i32 to index
        %swap3A_961 = tpu.vector_load %arg15[%swap3A_960] {strides = array<i32>} : memref<36864xf32, #tpu.memory_space<vmem>>, vector<16xf32>,
        tpu.vector_store %arg15[%swap3A_960], %get3A_957 {strides = array<i32>} : memref<36864xf32, #tpu.memory_space<vmem>>, vector<16xf32>,
        %add3A_962 = arith.constant 16 : i32
        %add3A_963 = arith.addi %multiple_of3A_950, %add3A_962 : i32
        %get3A_964 = arith.index_cast %add3A_963 : i32 to index
        %get3A_965 = tpu.vector_load %arg14[%get3A_964] {strides = array<i32>} : memref<32768xf32, #tpu.memory_space<vmem>>, vector<16xf32>,
        %add3A_966 = arith.constant 48 : i32
        %add3A_967 = arith.addi %multiple_of3A_955, %add3A_966 : i32
        %swap3A_968 = arith.index_cast %add3A_967 : i32 to index
        %swap3A_969 = tpu.vector_load %arg15[%swap3A_968] {strides = array<i32>} : memref<36864xf32, #tpu.memory_space<vmem>>, vector<16xf32>,
        tpu.vector_store %arg15[%swap3A_968], %get3A_965 {strides = array<i32>} : memref<36864xf32, #tpu.memory_space<vmem>>, vector<16xf32>,
        %slice3A_970 = vector.extract_strided_slice %get3A_727 {offsets = [11], sizes = [1], strides = [1]} : vector<16xi32> to vector<1xi32>
        %squeeze3A_971 = vector.extract %slice3A_970[0] : i32 from vector<1xi32>
        %multiple_of3A_972 = tpu.assume_multiple %squeeze3A_971, 32 : i32
        %add3A_973 = arith.constant 11 : i32
        %add3A_974 = arith.addi %multiple_of3A_725, %add3A_973 : i32
        %mul3A_975 = arith.constant 72 : i32
        %mul3A_976 = arith.muli %add3A_974, %mul3A_975 : i32
        %multiple_of3A_977 = tpu.assume_multiple %mul3A_976, 8 : i32
        %get3A_978 = arith.index_cast %multiple_of3A_972 : i32 to index
        %get3A_979 = tpu.vector_load %arg14[%get3A_978] {strides = array<i32>} : memref<32768xf32, #tpu.memory_space<vmem>>, vector<16xf32>,
        %add3A_980 = arith.constant 32 : i32
        %add3A_981 = arith.addi %multiple_of3A_977, %add3A_980 : i32
        %swap3A_982 = arith.index_cast %add3A_981 : i32 to index
        %swap3A_983 = tpu.vector_load %arg15[%swap3A_982] {strides = array<i32>} : memref<36864xf32, #tpu.memory_space<vmem>>, vector<16xf32>,
        tpu.vector_store %arg15[%swap3A_982], %get3A_979 {strides = array<i32>} : memref<36864xf32, #tpu.memory_space<vmem>>, vector<16xf32>,
        %add3A_984 = arith.constant 16 : i32
        %add3A_985 = arith.addi %multiple_of3A_972, %add3A_984 : i32
        %get3A_986 = arith.index_cast %add3A_985 : i32 to index
        %get3A_987 = tpu.vector_load %arg14[%get3A_986] {strides = array<i32>} : memref<32768xf32, #tpu.memory_space<vmem>>, vector<16xf32>,
        %add3A_988 = arith.constant 48 : i32
        %add3A_989 = arith.addi %multiple_of3A_977, %add3A_988 : i32
        %swap3A_990 = arith.index_cast %add3A_989 : i32 to index
        %swap3A_991 = tpu.vector_load %arg15[%swap3A_990] {strides = array<i32>} : memref<36864xf32, #tpu.memory_space<vmem>>, vector<16xf32>,
        tpu.vector_store %arg15[%swap3A_990], %get3A_987 {strides = array<i32>} : memref<36864xf32, #tpu.memory_space<vmem>>, vector<16xf32>,
        %slice3A_992 = vector.extract_strided_slice %get3A_727 {offsets = [12], sizes = [1], strides = [1]} : vector<16xi32> to vector<1xi32>
        %squeeze3A_993 = vector.extract %slice3A_992[0] : i32 from vector<1xi32>
        %multiple_of3A_994 = tpu.assume_multiple %squeeze3A_993, 32 : i32
        %add3A_995 = arith.constant 12 : i32
        %add3A_996 = arith.addi %multiple_of3A_725, %add3A_995 : i32
        %mul3A_997 = arith.constant 72 : i32
        %mul3A_998 = arith.muli %add3A_996, %mul3A_997 : i32
        %multiple_of3A_999 = tpu.assume_multiple %mul3A_998, 8 : i32
        %get3A_1000 = arith.index_cast %multiple_of3A_994 : i32 to index
        %get3A_1001 = tpu.vector_load %arg14[%get3A_1000] {strides = array<i32>} : memref<32768xf32, #tpu.memory_space<vmem>>, vector<16xf32>,
        %add3A_1002 = arith.constant 32 : i32
        %add3A_1003 = arith.addi %multiple_of3A_999, %add3A_1002 : i32
        %swap3A_1004 = arith.index_cast %add3A_1003 : i32 to index
        %swap3A_1005 = tpu.vector_load %arg15[%swap3A_1004] {strides = array<i32>} : memref<36864xf32, #tpu.memory_space<vmem>>, vector<16xf32>,
        tpu.vector_store %arg15[%swap3A_1004], %get3A_1001 {strides = array<i32>} : memref<36864xf32, #tpu.memory_space<vmem>>, vector<16xf32>,
        %add3A_1006 = arith.constant 16 : i32
        %add3A_1007 = arith.addi %multiple_of3A_994, %add3A_1006 : i32
        %get3A_1008 = arith.index_cast %add3A_1007 : i32 to index
        %get3A_1009 = tpu.vector_load %arg14[%get3A_1008] {strides = array<i32>} : memref<32768xf32, #tpu.memory_space<vmem>>, vector<16xf32>,
        %add3A_1010 = arith.constant 48 : i32
        %add3A_1011 = arith.addi %multiple_of3A_999, %add3A_1010 : i32
        %swap3A_1012 = arith.index_cast %add3A_1011 : i32 to index
        %swap3A_1013 = tpu.vector_load %arg15[%swap3A_1012] {strides = array<i32>} : memref<36864xf32, #tpu.memory_space<vmem>>, vector<16xf32>,
        tpu.vector_store %arg15[%swap3A_1012], %get3A_1009 {strides = array<i32>} : memref<36864xf32, #tpu.memory_space<vmem>>, vector<16xf32>,
        %slice3A_1014 = vector.extract_strided_slice %get3A_727 {offsets = [13], sizes = [1], strides = [1]} : vector<16xi32> to vector<1xi32>
        %squeeze3A_1015 = vector.extract %slice3A_1014[0] : i32 from vector<1xi32>
        %multiple_of3A_1016 = tpu.assume_multiple %squeeze3A_1015, 32 : i32
        %add3A_1017 = arith.constant 13 : i32
        %add3A_1018 = arith.addi %multiple_of3A_725, %add3A_1017 : i32
        %mul3A_1019 = arith.constant 72 : i32
        %mul3A_1020 = arith.muli %add3A_1018, %mul3A_1019 : i32
        %multiple_of3A_1021 = tpu.assume_multiple %mul3A_1020, 8 : i32
        %get3A_1022 = arith.index_cast %multiple_of3A_1016 : i32 to index
        %get3A_1023 = tpu.vector_load %arg14[%get3A_1022] {strides = array<i32>} : memref<32768xf32, #tpu.memory_space<vmem>>, vector<16xf32>,
        %add3A_1024 = arith.constant 32 : i32
        %add3A_1025 = arith.addi %multiple_of3A_1021, %add3A_1024 : i32
        %swap3A_1026 = arith.index_cast %add3A_1025 : i32 to index
        %swap3A_1027 = tpu.vector_load %arg15[%swap3A_1026] {strides = array<i32>} : memref<36864xf32, #tpu.memory_space<vmem>>, vector<16xf32>,
        tpu.vector_store %arg15[%swap3A_1026], %get3A_1023 {strides = array<i32>} : memref<36864xf32, #tpu.memory_space<vmem>>, vector<16xf32>,
        %add3A_1028 = arith.constant 16 : i32
        %add3A_1029 = arith.addi %multiple_of3A_1016, %add3A_1028 : i32
        %get3A_1030 = arith.index_cast %add3A_1029 : i32 to index
        %get3A_1031 = tpu.vector_load %arg14[%get3A_1030] {strides = array<i32>} : memref<32768xf32, #tpu.memory_space<vmem>>, vector<16xf32>,
        %add3A_1032 = arith.constant 48 : i32
        %add3A_1033 = arith.addi %multiple_of3A_1021, %add3A_1032 : i32
        %swap3A_1034 = arith.index_cast %add3A_1033 : i32 to index
        %swap3A_1035 = tpu.vector_load %arg15[%swap3A_1034] {strides = array<i32>} : memref<36864xf32, #tpu.memory_space<vmem>>, vector<16xf32>,
        tpu.vector_store %arg15[%swap3A_1034], %get3A_1031 {strides = array<i32>} : memref<36864xf32, #tpu.memory_space<vmem>>, vector<16xf32>,
        %slice3A_1036 = vector.extract_strided_slice %get3A_727 {offsets = [14], sizes = [1], strides = [1]} : vector<16xi32> to vector<1xi32>
        %squeeze3A_1037 = vector.extract %slice3A_1036[0] : i32 from vector<1xi32>
        %multiple_of3A_1038 = tpu.assume_multiple %squeeze3A_1037, 32 : i32
        %add3A_1039 = arith.constant 14 : i32
        %add3A_1040 = arith.addi %multiple_of3A_725, %add3A_1039 : i32
        %mul3A_1041 = arith.constant 72 : i32
        %mul3A_1042 = arith.muli %add3A_1040, %mul3A_1041 : i32
        %multiple_of3A_1043 = tpu.assume_multiple %mul3A_1042, 8 : i32
        %get3A_1044 = arith.index_cast %multiple_of3A_1038 : i32 to index
        %get3A_1045 = tpu.vector_load %arg14[%get3A_1044] {strides = array<i32>} : memref<32768xf32, #tpu.memory_space<vmem>>, vector<16xf32>,
        %add3A_1046 = arith.constant 32 : i32
        %add3A_1047 = arith.addi %multiple_of3A_1043, %add3A_1046 : i32
        %swap3A_1048 = arith.index_cast %add3A_1047 : i32 to index
        %swap3A_1049 = tpu.vector_load %arg15[%swap3A_1048] {strides = array<i32>} : memref<36864xf32, #tpu.memory_space<vmem>>, vector<16xf32>,
        tpu.vector_store %arg15[%swap3A_1048], %get3A_1045 {strides = array<i32>} : memref<36864xf32, #tpu.memory_space<vmem>>, vector<16xf32>,
        %add3A_1050 = arith.constant 16 : i32
        %add3A_1051 = arith.addi %multiple_of3A_1038, %add3A_1050 : i32
        %get3A_1052 = arith.index_cast %add3A_1051 : i32 to index
        %get3A_1053 = tpu.vector_load %arg14[%get3A_1052] {strides = array<i32>} : memref<32768xf32, #tpu.memory_space<vmem>>, vector<16xf32>,
        %add3A_1054 = arith.constant 48 : i32
        %add3A_1055 = arith.addi %multiple_of3A_1043, %add3A_1054 : i32
        %swap3A_1056 = arith.index_cast %add3A_1055 : i32 to index
        %swap3A_1057 = tpu.vector_load %arg15[%swap3A_1056] {strides = array<i32>} : memref<36864xf32, #tpu.memory_space<vmem>>, vector<16xf32>,
        tpu.vector_store %arg15[%swap3A_1056], %get3A_1053 {strides = array<i32>} : memref<36864xf32, #tpu.memory_space<vmem>>, vector<16xf32>,
        %slice3A_1058 = vector.extract_strided_slice %get3A_727 {offsets = [15], sizes = [1], strides = [1]} : vector<16xi32> to vector<1xi32>
        %squeeze3A_1059 = vector.extract %slice3A_1058[0] : i32 from vector<1xi32>
        %multiple_of3A_1060 = tpu.assume_multiple %squeeze3A_1059, 32 : i32
        %add3A_1061 = arith.constant 15 : i32
        %add3A_1062 = arith.addi %multiple_of3A_725, %add3A_1061 : i32
        %mul3A_1063 = arith.constant 72 : i32
        %mul3A_1064 = arith.muli %add3A_1062, %mul3A_1063 : i32
        %multiple_of3A_1065 = tpu.assume_multiple %mul3A_1064, 8 : i32
        %get3A_1066 = arith.index_cast %multiple_of3A_1060 : i32 to index
        %get3A_1067 = tpu.vector_load %arg14[%get3A_1066] {strides = array<i32>} : memref<32768xf32, #tpu.memory_space<vmem>>, vector<16xf32>,
        %add3A_1068 = arith.constant 32 : i32
        %add3A_1069 = arith.addi %multiple_of3A_1065, %add3A_1068 : i32
        %swap3A_1070 = arith.index_cast %add3A_1069 : i32 to index
        %swap3A_1071 = tpu.vector_load %arg15[%swap3A_1070] {strides = array<i32>} : memref<36864xf32, #tpu.memory_space<vmem>>, vector<16xf32>,
        tpu.vector_store %arg15[%swap3A_1070], %get3A_1067 {strides = array<i32>} : memref<36864xf32, #tpu.memory_space<vmem>>, vector<16xf32>,
        %add3A_1072 = arith.constant 16 : i32
        %add3A_1073 = arith.addi %multiple_of3A_1060, %add3A_1072 : i32
        %get3A_1074 = arith.index_cast %add3A_1073 : i32 to index
        %get3A_1075 = tpu.vector_load %arg14[%get3A_1074] {strides = array<i32>} : memref<32768xf32, #tpu.memory_space<vmem>>, vector<16xf32>,
        %add3A_1076 = arith.constant 48 : i32
        %add3A_1077 = arith.addi %multiple_of3A_1065, %add3A_1076 : i32
        %swap3A_1078 = arith.index_cast %add3A_1077 : i32 to index
        %swap3A_1079 = tpu.vector_load %arg15[%swap3A_1078] {strides = array<i32>} : memref<36864xf32, #tpu.memory_space<vmem>>, vector<16xf32>,
        tpu.vector_store %arg15[%swap3A_1078], %get3A_1075 {strides = array<i32>} : memref<36864xf32, #tpu.memory_space<vmem>>, vector<16xf32>,
      } else {
      }
      %mul3A_212 = arith.constant 8 : i32
      %mul3A_213 = arith.muli %scan3A_201, %mul3A_212 : i32
      %multiple_of3A = tpu.assume_multiple %mul3A_213, 8 : i32
      %add3A_214 = arith.constant 0 : i32
      %add3A_215 = arith.addi %multiple_of3A, %add3A_214 : i32
      %get3A_216 = arith.index_cast %add3A_215 : i32 to index
      %get3A_217 = tpu.vector_load %arg10[%get3A_216] {strides = array<i32>} : memref<528xi32, #tpu.memory_space<vmem>>, vector<16xi32>,
      %slice3A_218 = vector.extract_strided_slice %get3A_217 {offsets = [0], sizes = [1], strides = [1]} : vector<16xi32> to vector<1xi32>
      %squeeze3A_219 = vector.extract %slice3A_218[0] : i32 from vector<1xi32>
      %shift_right_arithmetic3A_220 = arith.constant 7 : i32
      %shift_right_arithmetic3A_221 = arith.shrsi %squeeze3A_219, %shift_right_arithmetic3A_220 : i32
      %mul3A_222 = arith.constant 128 : i32
      %mul3A_223 = arith.muli %shift_right_arithmetic3A_221, %mul3A_222 : i32
      %dma_wait3A = arith.constant 0 : i32
      %dma_wait3A_224 = arith.constant 0 : i32
      %dma_wait3A_225 = arith.constant 0 : i32
      %dma_wait3A_226 = arith.constant 0 : i32
      %dma_wait3A_227 = tpu.memref_slice %arg13[%dma_wait3A, %dma_wait3A_225, %dma_wait3A_226] : memref<8x32x128xf32, #tpu.memory_space<vmem>> -> memref<1x32x128xf32, #tpu.memory_space<vmem>>
      %dma_wait3A_228 = tpu.memref_squeeze %dma_wait3A_227 : memref<1x32x128xf32, #tpu.memory_space<vmem>> -> memref<32x128xf32, #tpu.memory_space<vmem>>
      %dma_wait3A_229 = arith.constant 0 : i32
      %dma_wait3A_230 = tpu.memref_slice %arg4[%dma_wait3A_229, %mul3A_223] : memref<32x1000001xf32, #tpu.memory_space<hbm>> -> memref<32x128xf32, #tpu.memory_space<hbm>>
      %dma_wait3A_231 = tpu.memref_slice %arg18[%dma_wait3A_224] : memref<8x!tpu.dma_semaphore, #tpu.memory_space<semaphore_mem>> -> memref<1x!tpu.dma_semaphore, #tpu.memory_space<semaphore_mem>>
      %dma_wait3A_232 = tpu.memref_squeeze %dma_wait3A_231 : memref<1x!tpu.dma_semaphore, #tpu.memory_space<semaphore_mem>> -> memref<!tpu.dma_semaphore, #tpu.memory_space<semaphore_mem>>
      %dma_wait3A_233 = arith.constant 0 : i32
      %dma_wait3A_234 = arith.constant 0 : i32
      %dma_wait3A_235 = tpu.memref_slice %arg13[%dma_wait3A, %dma_wait3A_233, %dma_wait3A_234] : memref<8x32x128xf32, #tpu.memory_space<vmem>> -> memref<1x32x128xf32, #tpu.memory_space<vmem>>
      %dma_wait3A_236 = tpu.memref_squeeze %dma_wait3A_235 : memref<1x32x128xf32, #tpu.memory_space<vmem>> -> memref<32x128xf32, #tpu.memory_space<vmem>>
      %dma_wait3A_237 = arith.constant 0 : i32
      %dma_wait3A_238 = tpu.memref_slice %arg4[%dma_wait3A_237, %mul3A_223] : memref<32x1000001xf32, #tpu.memory_space<hbm>> -> memref<32x128xf32, #tpu.memory_space<hbm>>
      tpu.wait_dma2 semaphore(%dma_wait3A_232 : memref<!tpu.dma_semaphore, #tpu.memory_space<semaphore_mem>>) src(%dma_wait3A_238 : memref<32x128xf32, #tpu.memory_space<hbm>>) dst(%dma_wait3A_236 : memref<32x128xf32, #tpu.memory_space<vmem>>)
      %get3A_239 = arith.index_cast %add3A_215 : i32 to index
      %get3A_240 = tpu.vector_load %arg10[%get3A_239] {strides = array<i32>} : memref<528xi32, #tpu.memory_space<vmem>>, vector<16xi32>,
      %slice3A_241 = vector.extract_strided_slice %get3A_240 {offsets = [0], sizes = [1], strides = [1]} : vector<16xi32> to vector<1xi32>
      %squeeze3A_242 = vector.extract %slice3A_241[0] : i32 from vector<1xi32>
      %and3A_243 = arith.constant 127 : i32
      %and3A_244 = arith.andi %squeeze3A_242, %and3A_243 : i32
      %broadcast_in_dim3A = vector.broadcast %and3A_244 : i32 to vector<16xi32>
      %mul3A_245 = arith.constant 72 : i32
      %mul3A_246 = arith.muli %add3A_215, %mul3A_245 : i32
      %multiple_of3A_247 = tpu.assume_multiple %mul3A_246, 8 : i32
      %gather3A = arith.constant 0 : i32
      %gather3A_248 = arith.constant 0 : i32
      %gather3A_249 = arith.constant 0 : i32
      %gather3A_250 = tpu.memref_slice %arg13[%gather3A, %gather3A_248, %gather3A_249] : memref<8x32x128xf32, #tpu.memory_space<vmem>> -> memref<1x32x128xf32, #tpu.memory_space<vmem>>
      %gather3A_251 = tpu.memref_squeeze %gather3A_250 : memref<1x32x128xf32, #tpu.memory_space<vmem>> -> memref<32x128xf32, #tpu.memory_space<vmem>>
      %gather3A_252 = tpu.vector_load_idx %gather3A_251[%iota3A, %broadcast_in_dim3A] : memref<32x128xf32, #tpu.memory_space<vmem>>[vector<16xi32>, vector<16xi32>], vector<16xf32>,
      %swap3A = arith.index_cast %multiple_of3A_247 : i32 to index
      %swap3A_253 = tpu.vector_load %arg15[%swap3A] {strides = array<i32>} : memref<36864xf32, #tpu.memory_space<vmem>>, vector<16xf32>,
      tpu.vector_store %arg15[%swap3A], %gather3A_252 {strides = array<i32>} : memref<36864xf32, #tpu.memory_space<vmem>>, vector<16xf32>,
      %add3A_254 = arith.constant 16 : i32
      %add3A_255 = vector.broadcast %add3A_254 : i32 to vector<16xi32>
      %add3A_256 = arith.addi %iota3A, %add3A_255 : vector<16xi32>
      %gather3A_257 = arith.constant 0 : i32
      %gather3A_258 = arith.constant 0 : i32
      %gather3A_259 = arith.constant 0 : i32
      %gather3A_260 = tpu.memref_slice %arg13[%gather3A_257, %gather3A_258, %gather3A_259] : memref<8x32x128xf32, #tpu.memory_space<vmem>> -> memref<1x32x128xf32, #tpu.memory_space<vmem>>
      %gather3A_261 = tpu.memref_squeeze %gather3A_260 : memref<1x32x128xf32, #tpu.memory_space<vmem>> -> memref<32x128xf32, #tpu.memory_space<vmem>>
      %gather3A_262 = tpu.vector_load_idx %gather3A_261[%add3A_256, %broadcast_in_dim3A] : memref<32x128xf32, #tpu.memory_space<vmem>>[vector<16xi32>, vector<16xi32>], vector<16xf32>,
      %add3A_263 = arith.constant 16 : i32
      %add3A_264 = arith.addi %multiple_of3A_247, %add3A_263 : i32
      %swap3A_265 = arith.index_cast %add3A_264 : i32 to index
      %swap3A_266 = tpu.vector_load %arg15[%swap3A_265] {strides = array<i32>} : memref<36864xf32, #tpu.memory_space<vmem>>, vector<16xf32>,
      tpu.vector_store %arg15[%swap3A_265], %gather3A_262 {strides = array<i32>} : memref<36864xf32, #tpu.memory_space<vmem>>, vector<16xf32>,
      %add3A_267 = arith.constant 8 : i32
      %add3A_268 = arith.addi %add3A_215, %add3A_267 : i32
      %lt3A = arith.constant 512 : i32
      %lt3A_269 = arith.cmpi slt, %add3A_268, %lt3A : i32
      %convert_element_type3A_270 = arith.extui %lt3A_269 : i1 to i32
      %cond3A_271 = arith.constant 0 : i32
      %cond3A_272 = arith.cmpi ne, %convert_element_type3A_270, %cond3A_271 : i32
      scf.if %cond3A_272 {
        %add3A_721 = arith.constant 8 : i32
        %add3A_722 = arith.addi %add3A_215, %add3A_721 : i32
        %get3A_723 = arith.index_cast %add3A_722 : i32 to index
        %get3A_724 = tpu.vector_load %arg10[%get3A_723] {strides = array<i32>} : memref<528xi32, #tpu.memory_space<vmem>>, vector<16xi32>,
        %slice3A_725 = vector.extract_strided_slice %get3A_724 {offsets = [0], sizes = [1], strides = [1]} : vector<16xi32> to vector<1xi32>
        %squeeze3A_726 = vector.extract %slice3A_725[0] : i32 from vector<1xi32>
        %shift_right_arithmetic3A_727 = arith.constant 7 : i32
        %shift_right_arithmetic3A_728 = arith.shrsi %squeeze3A_726, %shift_right_arithmetic3A_727 : i32
        %mul3A_729 = arith.constant 128 : i32
        %mul3A_730 = arith.muli %shift_right_arithmetic3A_728, %mul3A_729 : i32
        %dma_start3A_731 = arith.constant 0 : i32
        %dma_start3A_732 = arith.constant 0 : i32
        %dma_start3A_733 = arith.constant 0 : i32
        %dma_start3A_734 = arith.constant 0 : i32
        %dma_start3A_735 = tpu.memref_slice %arg13[%dma_start3A_731, %dma_start3A_733, %dma_start3A_734] : memref<8x32x128xf32, #tpu.memory_space<vmem>> -> memref<1x32x128xf32, #tpu.memory_space<vmem>>
        %dma_start3A_736 = tpu.memref_squeeze %dma_start3A_735 : memref<1x32x128xf32, #tpu.memory_space<vmem>> -> memref<32x128xf32, #tpu.memory_space<vmem>>
        %dma_start3A_737 = arith.constant 0 : i32
        %dma_start3A_738 = tpu.memref_slice %arg4[%dma_start3A_737, %mul3A_730] : memref<32x1000001xf32, #tpu.memory_space<hbm>> -> memref<32x128xf32, #tpu.memory_space<hbm>>
        %dma_start3A_739 = tpu.memref_slice %arg18[%dma_start3A_732] : memref<8x!tpu.dma_semaphore, #tpu.memory_space<semaphore_mem>> -> memref<1x!tpu.dma_semaphore, #tpu.memory_space<semaphore_mem>>
        %dma_start3A_740 = tpu.memref_squeeze %dma_start3A_739 : memref<1x!tpu.dma_semaphore, #tpu.memory_space<semaphore_mem>> -> memref<!tpu.dma_semaphore, #tpu.memory_space<semaphore_mem>>
        %dma_start3A_741 = arith.constant 0 : i32
        %dma_start3A_742 = arith.constant 0 : i32
        %dma_start3A_743 = tpu.memref_slice %arg13[%dma_start3A_731, %dma_start3A_741, %dma_start3A_742] : memref<8x32x128xf32, #tpu.memory_space<vmem>> -> memref<1x32x128xf32, #tpu.memory_space<vmem>>
        %dma_start3A_744 = tpu.memref_squeeze %dma_start3A_743 : memref<1x32x128xf32, #tpu.memory_space<vmem>> -> memref<32x128xf32, #tpu.memory_space<vmem>>
        %dma_start3A_745 = arith.constant 0 : i32
        %dma_start3A_746 = tpu.memref_slice %arg4[%dma_start3A_745, %mul3A_730] : memref<32x1000001xf32, #tpu.memory_space<hbm>> -> memref<32x128xf32, #tpu.memory_space<hbm>>
        tpu.enqueue_dma source(%dma_start3A_746 : memref<32x128xf32, #tpu.memory_space<hbm>>) target(%dma_start3A_744 : memref<32x128xf32, #tpu.memory_space<vmem>>) target_semaphore(%dma_start3A_740 : memref<!tpu.dma_semaphore, #tpu.memory_space<semaphore_mem>>)
      } else {
      }
      %add3A_273 = arith.constant 1 : i32
      %add3A_274 = arith.addi %multiple_of3A, %add3A_273 : i32
      %get3A_275 = arith.index_cast %add3A_274 : i32 to index
      %get3A_276 = tpu.vector_load %arg10[%get3A_275] {strides = array<i32>} : memref<528xi32, #tpu.memory_space<vmem>>, vector<16xi32>,
      %slice3A_277 = vector.extract_strided_slice %get3A_276 {offsets = [0], sizes = [1], strides = [1]} : vector<16xi32> to vector<1xi32>
      %squeeze3A_278 = vector.extract %slice3A_277[0] : i32 from vector<1xi32>
      %shift_right_arithmetic3A_279 = arith.constant 7 : i32
      %shift_right_arithmetic3A_280 = arith.shrsi %squeeze3A_278, %shift_right_arithmetic3A_279 : i32
      %mul3A_281 = arith.constant 128 : i32
      %mul3A_282 = arith.muli %shift_right_arithmetic3A_280, %mul3A_281 : i32
      %dma_wait3A_283 = arith.constant 1 : i32
      %dma_wait3A_284 = arith.constant 1 : i32
      %dma_wait3A_285 = arith.constant 0 : i32
      %dma_wait3A_286 = arith.constant 0 : i32
      %dma_wait3A_287 = tpu.memref_slice %arg13[%dma_wait3A_283, %dma_wait3A_285, %dma_wait3A_286] : memref<8x32x128xf32, #tpu.memory_space<vmem>> -> memref<1x32x128xf32, #tpu.memory_space<vmem>>
      %dma_wait3A_288 = tpu.memref_squeeze %dma_wait3A_287 : memref<1x32x128xf32, #tpu.memory_space<vmem>> -> memref<32x128xf32, #tpu.memory_space<vmem>>
      %dma_wait3A_289 = arith.constant 0 : i32
      %dma_wait3A_290 = tpu.memref_slice %arg4[%dma_wait3A_289, %mul3A_282] : memref<32x1000001xf32, #tpu.memory_space<hbm>> -> memref<32x128xf32, #tpu.memory_space<hbm>>
      %dma_wait3A_291 = tpu.memref_slice %arg18[%dma_wait3A_284] : memref<8x!tpu.dma_semaphore, #tpu.memory_space<semaphore_mem>> -> memref<1x!tpu.dma_semaphore, #tpu.memory_space<semaphore_mem>>
      %dma_wait3A_292 = tpu.memref_squeeze %dma_wait3A_291 : memref<1x!tpu.dma_semaphore, #tpu.memory_space<semaphore_mem>> -> memref<!tpu.dma_semaphore, #tpu.memory_space<semaphore_mem>>
      %dma_wait3A_293 = arith.constant 0 : i32
      %dma_wait3A_294 = arith.constant 0 : i32
      %dma_wait3A_295 = tpu.memref_slice %arg13[%dma_wait3A_283, %dma_wait3A_293, %dma_wait3A_294] : memref<8x32x128xf32, #tpu.memory_space<vmem>> -> memref<1x32x128xf32, #tpu.memory_space<vmem>>
      %dma_wait3A_296 = tpu.memref_squeeze %dma_wait3A_295 : memref<1x32x128xf32, #tpu.memory_space<vmem>> -> memref<32x128xf32, #tpu.memory_space<vmem>>
      %dma_wait3A_297 = arith.constant 0 : i32
      %dma_wait3A_298 = tpu.memref_slice %arg4[%dma_wait3A_297, %mul3A_282] : memref<32x1000001xf32, #tpu.memory_space<hbm>> -> memref<32x128xf32, #tpu.memory_space<hbm>>
      tpu.wait_dma2 semaphore(%dma_wait3A_292 : memref<!tpu.dma_semaphore, #tpu.memory_space<semaphore_mem>>) src(%dma_wait3A_298 : memref<32x128xf32, #tpu.memory_space<hbm>>) dst(%dma_wait3A_296 : memref<32x128xf32, #tpu.memory_space<vmem>>)
      %get3A_299 = arith.index_cast %add3A_274 : i32 to index
      %get3A_300 = tpu.vector_load %arg10[%get3A_299] {strides = array<i32>} : memref<528xi32, #tpu.memory_space<vmem>>, vector<16xi32>,
      %slice3A_301 = vector.extract_strided_slice %get3A_300 {offsets = [0], sizes = [1], strides = [1]} : vector<16xi32> to vector<1xi32>
      %squeeze3A_302 = vector.extract %slice3A_301[0] : i32 from vector<1xi32>
      %and3A_303 = arith.constant 127 : i32
      %and3A_304 = arith.andi %squeeze3A_302, %and3A_303 : i32
      %broadcast_in_dim3A_305 = vector.broadcast %and3A_304 : i32 to vector<16xi32>
      %mul3A_306 = arith.constant 72 : i32
      %mul3A_307 = arith.muli %add3A_274, %mul3A_306 : i32
      %multiple_of3A_308 = tpu.assume_multiple %mul3A_307, 8 : i32
      %gather3A_309 = arith.constant 1 : i32
      %gather3A_310 = arith.constant 0 : i32
      %gather3A_311 = arith.constant 0 : i32
      %gather3A_312 = tpu.memref_slice %arg13[%gather3A_309, %gather3A_310, %gather3A_311] : memref<8x32x128xf32, #tpu.memory_space<vmem>> -> memref<1x32x128xf32, #tpu.memory_space<vmem>>
      %gather3A_313 = tpu.memref_squeeze %gather3A_312 : memref<1x32x128xf32, #tpu.memory_space<vmem>> -> memref<32x128xf32, #tpu.memory_space<vmem>>
      %gather3A_314 = tpu.vector_load_idx %gather3A_313[%iota3A, %broadcast_in_dim3A_305] : memref<32x128xf32, #tpu.memory_space<vmem>>[vector<16xi32>, vector<16xi32>], vector<16xf32>,
      %swap3A_315 = arith.index_cast %multiple_of3A_308 : i32 to index
      %swap3A_316 = tpu.vector_load %arg15[%swap3A_315] {strides = array<i32>} : memref<36864xf32, #tpu.memory_space<vmem>>, vector<16xf32>,
      tpu.vector_store %arg15[%swap3A_315], %gather3A_314 {strides = array<i32>} : memref<36864xf32, #tpu.memory_space<vmem>>, vector<16xf32>,
      %add3A_317 = arith.constant 16 : i32
      %add3A_318 = vector.broadcast %add3A_317 : i32 to vector<16xi32>
      %add3A_319 = arith.addi %iota3A, %add3A_318 : vector<16xi32>
      %gather3A_320 = arith.constant 1 : i32
      %gather3A_321 = arith.constant 0 : i32
      %gather3A_322 = arith.constant 0 : i32
      %gather3A_323 = tpu.memref_slice %arg13[%gather3A_320, %gather3A_321, %gather3A_322] : memref<8x32x128xf32, #tpu.memory_space<vmem>> -> memref<1x32x128xf32, #tpu.memory_space<vmem>>
      %gather3A_324 = tpu.memref_squeeze %gather3A_323 : memref<1x32x128xf32, #tpu.memory_space<vmem>> -> memref<32x128xf32, #tpu.memory_space<vmem>>
      %gather3A_325 = tpu.vector_load_idx %gather3A_324[%add3A_319, %broadcast_in_dim3A_305] : memref<32x128xf32, #tpu.memory_space<vmem>>[vector<16xi32>, vector<16xi32>], vector<16xf32>,
      %add3A_326 = arith.constant 16 : i32
      %add3A_327 = arith.addi %multiple_of3A_308, %add3A_326 : i32
      %swap3A_328 = arith.index_cast %add3A_327 : i32 to index
      %swap3A_329 = tpu.vector_load %arg15[%swap3A_328] {strides = array<i32>} : memref<36864xf32, #tpu.memory_space<vmem>>, vector<16xf32>,
      tpu.vector_store %arg15[%swap3A_328], %gather3A_325 {strides = array<i32>} : memref<36864xf32, #tpu.memory_space<vmem>>, vector<16xf32>,
      %add3A_330 = arith.constant 8 : i32
      %add3A_331 = arith.addi %add3A_274, %add3A_330 : i32
      %lt3A_332 = arith.constant 512 : i32
      %lt3A_333 = arith.cmpi slt, %add3A_331, %lt3A_332 : i32
      %convert_element_type3A_334 = arith.extui %lt3A_333 : i1 to i32
      %cond3A_335 = arith.constant 0 : i32
      %cond3A_336 = arith.cmpi ne, %convert_element_type3A_334, %cond3A_335 : i32
      scf.if %cond3A_336 {
        %add3A_721 = arith.constant 8 : i32
        %add3A_722 = arith.addi %add3A_274, %add3A_721 : i32
        %get3A_723 = arith.index_cast %add3A_722 : i32 to index
        %get3A_724 = tpu.vector_load %arg10[%get3A_723] {strides = array<i32>} : memref<528xi32, #tpu.memory_space<vmem>>, vector<16xi32>,
        %slice3A_725 = vector.extract_strided_slice %get3A_724 {offsets = [0], sizes = [1], strides = [1]} : vector<16xi32> to vector<1xi32>
        %squeeze3A_726 = vector.extract %slice3A_725[0] : i32 from vector<1xi32>
        %shift_right_arithmetic3A_727 = arith.constant 7 : i32
        %shift_right_arithmetic3A_728 = arith.shrsi %squeeze3A_726, %shift_right_arithmetic3A_727 : i32
        %mul3A_729 = arith.constant 128 : i32
        %mul3A_730 = arith.muli %shift_right_arithmetic3A_728, %mul3A_729 : i32
        %dma_start3A_731 = arith.constant 1 : i32
        %dma_start3A_732 = arith.constant 1 : i32
        %dma_start3A_733 = arith.constant 0 : i32
        %dma_start3A_734 = arith.constant 0 : i32
        %dma_start3A_735 = tpu.memref_slice %arg13[%dma_start3A_731, %dma_start3A_733, %dma_start3A_734] : memref<8x32x128xf32, #tpu.memory_space<vmem>> -> memref<1x32x128xf32, #tpu.memory_space<vmem>>
        %dma_start3A_736 = tpu.memref_squeeze %dma_start3A_735 : memref<1x32x128xf32, #tpu.memory_space<vmem>> -> memref<32x128xf32, #tpu.memory_space<vmem>>
        %dma_start3A_737 = arith.constant 0 : i32
        %dma_start3A_738 = tpu.memref_slice %arg4[%dma_start3A_737, %mul3A_730] : memref<32x1000001xf32, #tpu.memory_space<hbm>> -> memref<32x128xf32, #tpu.memory_space<hbm>>
        %dma_start3A_739 = tpu.memref_slice %arg18[%dma_start3A_732] : memref<8x!tpu.dma_semaphore, #tpu.memory_space<semaphore_mem>> -> memref<1x!tpu.dma_semaphore, #tpu.memory_space<semaphore_mem>>
        %dma_start3A_740 = tpu.memref_squeeze %dma_start3A_739 : memref<1x!tpu.dma_semaphore, #tpu.memory_space<semaphore_mem>> -> memref<!tpu.dma_semaphore, #tpu.memory_space<semaphore_mem>>
        %dma_start3A_741 = arith.constant 0 : i32
        %dma_start3A_742 = arith.constant 0 : i32
        %dma_start3A_743 = tpu.memref_slice %arg13[%dma_start3A_731, %dma_start3A_741, %dma_start3A_742] : memref<8x32x128xf32, #tpu.memory_space<vmem>> -> memref<1x32x128xf32, #tpu.memory_space<vmem>>
        %dma_start3A_744 = tpu.memref_squeeze %dma_start3A_743 : memref<1x32x128xf32, #tpu.memory_space<vmem>> -> memref<32x128xf32, #tpu.memory_space<vmem>>
        %dma_start3A_745 = arith.constant 0 : i32
        %dma_start3A_746 = tpu.memref_slice %arg4[%dma_start3A_745, %mul3A_730] : memref<32x1000001xf32, #tpu.memory_space<hbm>> -> memref<32x128xf32, #tpu.memory_space<hbm>>
        tpu.enqueue_dma source(%dma_start3A_746 : memref<32x128xf32, #tpu.memory_space<hbm>>) target(%dma_start3A_744 : memref<32x128xf32, #tpu.memory_space<vmem>>) target_semaphore(%dma_start3A_740 : memref<!tpu.dma_semaphore, #tpu.memory_space<semaphore_mem>>)
      } else {
      }
      %add3A_337 = arith.constant 2 : i32
      %add3A_338 = arith.addi %multiple_of3A, %add3A_337 : i32
      %get3A_339 = arith.index_cast %add3A_338 : i32 to index
      %get3A_340 = tpu.vector_load %arg10[%get3A_339] {strides = array<i32>} : memref<528xi32, #tpu.memory_space<vmem>>, vector<16xi32>,
      %slice3A_341 = vector.extract_strided_slice %get3A_340 {offsets = [0], sizes = [1], strides = [1]} : vector<16xi32> to vector<1xi32>
      %squeeze3A_342 = vector.extract %slice3A_341[0] : i32 from vector<1xi32>
      %shift_right_arithmetic3A_343 = arith.constant 7 : i32
      %shift_right_arithmetic3A_344 = arith.shrsi %squeeze3A_342, %shift_right_arithmetic3A_343 : i32
      %mul3A_345 = arith.constant 128 : i32
      %mul3A_346 = arith.muli %shift_right_arithmetic3A_344, %mul3A_345 : i32
      %dma_wait3A_347 = arith.constant 2 : i32
      %dma_wait3A_348 = arith.constant 2 : i32
      %dma_wait3A_349 = arith.constant 0 : i32
      %dma_wait3A_350 = arith.constant 0 : i32
      %dma_wait3A_351 = tpu.memref_slice %arg13[%dma_wait3A_347, %dma_wait3A_349, %dma_wait3A_350] : memref<8x32x128xf32, #tpu.memory_space<vmem>> -> memref<1x32x128xf32, #tpu.memory_space<vmem>>
      %dma_wait3A_352 = tpu.memref_squeeze %dma_wait3A_351 : memref<1x32x128xf32, #tpu.memory_space<vmem>> -> memref<32x128xf32, #tpu.memory_space<vmem>>
      %dma_wait3A_353 = arith.constant 0 : i32
      %dma_wait3A_354 = tpu.memref_slice %arg4[%dma_wait3A_353, %mul3A_346] : memref<32x1000001xf32, #tpu.memory_space<hbm>> -> memref<32x128xf32, #tpu.memory_space<hbm>>
      %dma_wait3A_355 = tpu.memref_slice %arg18[%dma_wait3A_348] : memref<8x!tpu.dma_semaphore, #tpu.memory_space<semaphore_mem>> -> memref<1x!tpu.dma_semaphore, #tpu.memory_space<semaphore_mem>>
      %dma_wait3A_356 = tpu.memref_squeeze %dma_wait3A_355 : memref<1x!tpu.dma_semaphore, #tpu.memory_space<semaphore_mem>> -> memref<!tpu.dma_semaphore, #tpu.memory_space<semaphore_mem>>
      %dma_wait3A_357 = arith.constant 0 : i32
      %dma_wait3A_358 = arith.constant 0 : i32
      %dma_wait3A_359 = tpu.memref_slice %arg13[%dma_wait3A_347, %dma_wait3A_357, %dma_wait3A_358] : memref<8x32x128xf32, #tpu.memory_space<vmem>> -> memref<1x32x128xf32, #tpu.memory_space<vmem>>
      %dma_wait3A_360 = tpu.memref_squeeze %dma_wait3A_359 : memref<1x32x128xf32, #tpu.memory_space<vmem>> -> memref<32x128xf32, #tpu.memory_space<vmem>>
      %dma_wait3A_361 = arith.constant 0 : i32
      %dma_wait3A_362 = tpu.memref_slice %arg4[%dma_wait3A_361, %mul3A_346] : memref<32x1000001xf32, #tpu.memory_space<hbm>> -> memref<32x128xf32, #tpu.memory_space<hbm>>
      tpu.wait_dma2 semaphore(%dma_wait3A_356 : memref<!tpu.dma_semaphore, #tpu.memory_space<semaphore_mem>>) src(%dma_wait3A_362 : memref<32x128xf32, #tpu.memory_space<hbm>>) dst(%dma_wait3A_360 : memref<32x128xf32, #tpu.memory_space<vmem>>)
      %get3A_363 = arith.index_cast %add3A_338 : i32 to index
      %get3A_364 = tpu.vector_load %arg10[%get3A_363] {strides = array<i32>} : memref<528xi32, #tpu.memory_space<vmem>>, vector<16xi32>,
      %slice3A_365 = vector.extract_strided_slice %get3A_364 {offsets = [0], sizes = [1], strides = [1]} : vector<16xi32> to vector<1xi32>
      %squeeze3A_366 = vector.extract %slice3A_365[0] : i32 from vector<1xi32>
      %and3A_367 = arith.constant 127 : i32
      %and3A_368 = arith.andi %squeeze3A_366, %and3A_367 : i32
      %broadcast_in_dim3A_369 = vector.broadcast %and3A_368 : i32 to vector<16xi32>
      %mul3A_370 = arith.constant 72 : i32
      %mul3A_371 = arith.muli %add3A_338, %mul3A_370 : i32
      %multiple_of3A_372 = tpu.assume_multiple %mul3A_371, 8 : i32
      %gather3A_373 = arith.constant 2 : i32
      %gather3A_374 = arith.constant 0 : i32
      %gather3A_375 = arith.constant 0 : i32
      %gather3A_376 = tpu.memref_slice %arg13[%gather3A_373, %gather3A_374, %gather3A_375] : memref<8x32x128xf32, #tpu.memory_space<vmem>> -> memref<1x32x128xf32, #tpu.memory_space<vmem>>
      %gather3A_377 = tpu.memref_squeeze %gather3A_376 : memref<1x32x128xf32, #tpu.memory_space<vmem>> -> memref<32x128xf32, #tpu.memory_space<vmem>>
      %gather3A_378 = tpu.vector_load_idx %gather3A_377[%iota3A, %broadcast_in_dim3A_369] : memref<32x128xf32, #tpu.memory_space<vmem>>[vector<16xi32>, vector<16xi32>], vector<16xf32>,
      %swap3A_379 = arith.index_cast %multiple_of3A_372 : i32 to index
      %swap3A_380 = tpu.vector_load %arg15[%swap3A_379] {strides = array<i32>} : memref<36864xf32, #tpu.memory_space<vmem>>, vector<16xf32>,
      tpu.vector_store %arg15[%swap3A_379], %gather3A_378 {strides = array<i32>} : memref<36864xf32, #tpu.memory_space<vmem>>, vector<16xf32>,
      %add3A_381 = arith.constant 16 : i32
      %add3A_382 = vector.broadcast %add3A_381 : i32 to vector<16xi32>
      %add3A_383 = arith.addi %iota3A, %add3A_382 : vector<16xi32>
      %gather3A_384 = arith.constant 2 : i32
      %gather3A_385 = arith.constant 0 : i32
      %gather3A_386 = arith.constant 0 : i32
      %gather3A_387 = tpu.memref_slice %arg13[%gather3A_384, %gather3A_385, %gather3A_386] : memref<8x32x128xf32, #tpu.memory_space<vmem>> -> memref<1x32x128xf32, #tpu.memory_space<vmem>>
      %gather3A_388 = tpu.memref_squeeze %gather3A_387 : memref<1x32x128xf32, #tpu.memory_space<vmem>> -> memref<32x128xf32, #tpu.memory_space<vmem>>
      %gather3A_389 = tpu.vector_load_idx %gather3A_388[%add3A_383, %broadcast_in_dim3A_369] : memref<32x128xf32, #tpu.memory_space<vmem>>[vector<16xi32>, vector<16xi32>], vector<16xf32>,
      %add3A_390 = arith.constant 16 : i32
      %add3A_391 = arith.addi %multiple_of3A_372, %add3A_390 : i32
      %swap3A_392 = arith.index_cast %add3A_391 : i32 to index
      %swap3A_393 = tpu.vector_load %arg15[%swap3A_392] {strides = array<i32>} : memref<36864xf32, #tpu.memory_space<vmem>>, vector<16xf32>,
      tpu.vector_store %arg15[%swap3A_392], %gather3A_389 {strides = array<i32>} : memref<36864xf32, #tpu.memory_space<vmem>>, vector<16xf32>,
      %add3A_394 = arith.constant 8 : i32
      %add3A_395 = arith.addi %add3A_338, %add3A_394 : i32
      %lt3A_396 = arith.constant 512 : i32
      %lt3A_397 = arith.cmpi slt, %add3A_395, %lt3A_396 : i32
      %convert_element_type3A_398 = arith.extui %lt3A_397 : i1 to i32
      %cond3A_399 = arith.constant 0 : i32
      %cond3A_400 = arith.cmpi ne, %convert_element_type3A_398, %cond3A_399 : i32
      scf.if %cond3A_400 {
        %add3A_721 = arith.constant 8 : i32
        %add3A_722 = arith.addi %add3A_338, %add3A_721 : i32
        %get3A_723 = arith.index_cast %add3A_722 : i32 to index
        %get3A_724 = tpu.vector_load %arg10[%get3A_723] {strides = array<i32>} : memref<528xi32, #tpu.memory_space<vmem>>, vector<16xi32>,
        %slice3A_725 = vector.extract_strided_slice %get3A_724 {offsets = [0], sizes = [1], strides = [1]} : vector<16xi32> to vector<1xi32>
        %squeeze3A_726 = vector.extract %slice3A_725[0] : i32 from vector<1xi32>
        %shift_right_arithmetic3A_727 = arith.constant 7 : i32
        %shift_right_arithmetic3A_728 = arith.shrsi %squeeze3A_726, %shift_right_arithmetic3A_727 : i32
        %mul3A_729 = arith.constant 128 : i32
        %mul3A_730 = arith.muli %shift_right_arithmetic3A_728, %mul3A_729 : i32
        %dma_start3A_731 = arith.constant 2 : i32
        %dma_start3A_732 = arith.constant 2 : i32
        %dma_start3A_733 = arith.constant 0 : i32
        %dma_start3A_734 = arith.constant 0 : i32
        %dma_start3A_735 = tpu.memref_slice %arg13[%dma_start3A_731, %dma_start3A_733, %dma_start3A_734] : memref<8x32x128xf32, #tpu.memory_space<vmem>> -> memref<1x32x128xf32, #tpu.memory_space<vmem>>
        %dma_start3A_736 = tpu.memref_squeeze %dma_start3A_735 : memref<1x32x128xf32, #tpu.memory_space<vmem>> -> memref<32x128xf32, #tpu.memory_space<vmem>>
        %dma_start3A_737 = arith.constant 0 : i32
        %dma_start3A_738 = tpu.memref_slice %arg4[%dma_start3A_737, %mul3A_730] : memref<32x1000001xf32, #tpu.memory_space<hbm>> -> memref<32x128xf32, #tpu.memory_space<hbm>>
        %dma_start3A_739 = tpu.memref_slice %arg18[%dma_start3A_732] : memref<8x!tpu.dma_semaphore, #tpu.memory_space<semaphore_mem>> -> memref<1x!tpu.dma_semaphore, #tpu.memory_space<semaphore_mem>>
        %dma_start3A_740 = tpu.memref_squeeze %dma_start3A_739 : memref<1x!tpu.dma_semaphore, #tpu.memory_space<semaphore_mem>> -> memref<!tpu.dma_semaphore, #tpu.memory_space<semaphore_mem>>
        %dma_start3A_741 = arith.constant 0 : i32
        %dma_start3A_742 = arith.constant 0 : i32
        %dma_start3A_743 = tpu.memref_slice %arg13[%dma_start3A_731, %dma_start3A_741, %dma_start3A_742] : memref<8x32x128xf32, #tpu.memory_space<vmem>> -> memref<1x32x128xf32, #tpu.memory_space<vmem>>
        %dma_start3A_744 = tpu.memref_squeeze %dma_start3A_743 : memref<1x32x128xf32, #tpu.memory_space<vmem>> -> memref<32x128xf32, #tpu.memory_space<vmem>>
        %dma_start3A_745 = arith.constant 0 : i32
        %dma_start3A_746 = tpu.memref_slice %arg4[%dma_start3A_745, %mul3A_730] : memref<32x1000001xf32, #tpu.memory_space<hbm>> -> memref<32x128xf32, #tpu.memory_space<hbm>>
        tpu.enqueue_dma source(%dma_start3A_746 : memref<32x128xf32, #tpu.memory_space<hbm>>) target(%dma_start3A_744 : memref<32x128xf32, #tpu.memory_space<vmem>>) target_semaphore(%dma_start3A_740 : memref<!tpu.dma_semaphore, #tpu.memory_space<semaphore_mem>>)
      } else {
      }
      %add3A_401 = arith.constant 3 : i32
      %add3A_402 = arith.addi %multiple_of3A, %add3A_401 : i32
      %get3A_403 = arith.index_cast %add3A_402 : i32 to index
      %get3A_404 = tpu.vector_load %arg10[%get3A_403] {strides = array<i32>} : memref<528xi32, #tpu.memory_space<vmem>>, vector<16xi32>,
      %slice3A_405 = vector.extract_strided_slice %get3A_404 {offsets = [0], sizes = [1], strides = [1]} : vector<16xi32> to vector<1xi32>
      %squeeze3A_406 = vector.extract %slice3A_405[0] : i32 from vector<1xi32>
      %shift_right_arithmetic3A_407 = arith.constant 7 : i32
      %shift_right_arithmetic3A_408 = arith.shrsi %squeeze3A_406, %shift_right_arithmetic3A_407 : i32
      %mul3A_409 = arith.constant 128 : i32
      %mul3A_410 = arith.muli %shift_right_arithmetic3A_408, %mul3A_409 : i32
      %dma_wait3A_411 = arith.constant 3 : i32
      %dma_wait3A_412 = arith.constant 3 : i32
      %dma_wait3A_413 = arith.constant 0 : i32
      %dma_wait3A_414 = arith.constant 0 : i32
      %dma_wait3A_415 = tpu.memref_slice %arg13[%dma_wait3A_411, %dma_wait3A_413, %dma_wait3A_414] : memref<8x32x128xf32, #tpu.memory_space<vmem>> -> memref<1x32x128xf32, #tpu.memory_space<vmem>>
      %dma_wait3A_416 = tpu.memref_squeeze %dma_wait3A_415 : memref<1x32x128xf32, #tpu.memory_space<vmem>> -> memref<32x128xf32, #tpu.memory_space<vmem>>
      %dma_wait3A_417 = arith.constant 0 : i32
      %dma_wait3A_418 = tpu.memref_slice %arg4[%dma_wait3A_417, %mul3A_410] : memref<32x1000001xf32, #tpu.memory_space<hbm>> -> memref<32x128xf32, #tpu.memory_space<hbm>>
      %dma_wait3A_419 = tpu.memref_slice %arg18[%dma_wait3A_412] : memref<8x!tpu.dma_semaphore, #tpu.memory_space<semaphore_mem>> -> memref<1x!tpu.dma_semaphore, #tpu.memory_space<semaphore_mem>>
      %dma_wait3A_420 = tpu.memref_squeeze %dma_wait3A_419 : memref<1x!tpu.dma_semaphore, #tpu.memory_space<semaphore_mem>> -> memref<!tpu.dma_semaphore, #tpu.memory_space<semaphore_mem>>
      %dma_wait3A_421 = arith.constant 0 : i32
      %dma_wait3A_422 = arith.constant 0 : i32
      %dma_wait3A_423 = tpu.memref_slice %arg13[%dma_wait3A_411, %dma_wait3A_421, %dma_wait3A_422] : memref<8x32x128xf32, #tpu.memory_space<vmem>> -> memref<1x32x128xf32, #tpu.memory_space<vmem>>
      %dma_wait3A_424 = tpu.memref_squeeze %dma_wait3A_423 : memref<1x32x128xf32, #tpu.memory_space<vmem>> -> memref<32x128xf32, #tpu.memory_space<vmem>>
      %dma_wait3A_425 = arith.constant 0 : i32
      %dma_wait3A_426 = tpu.memref_slice %arg4[%dma_wait3A_425, %mul3A_410] : memref<32x1000001xf32, #tpu.memory_space<hbm>> -> memref<32x128xf32, #tpu.memory_space<hbm>>
      tpu.wait_dma2 semaphore(%dma_wait3A_420 : memref<!tpu.dma_semaphore, #tpu.memory_space<semaphore_mem>>) src(%dma_wait3A_426 : memref<32x128xf32, #tpu.memory_space<hbm>>) dst(%dma_wait3A_424 : memref<32x128xf32, #tpu.memory_space<vmem>>)
      %get3A_427 = arith.index_cast %add3A_402 : i32 to index
      %get3A_428 = tpu.vector_load %arg10[%get3A_427] {strides = array<i32>} : memref<528xi32, #tpu.memory_space<vmem>>, vector<16xi32>,
      %slice3A_429 = vector.extract_strided_slice %get3A_428 {offsets = [0], sizes = [1], strides = [1]} : vector<16xi32> to vector<1xi32>
      %squeeze3A_430 = vector.extract %slice3A_429[0] : i32 from vector<1xi32>
      %and3A_431 = arith.constant 127 : i32
      %and3A_432 = arith.andi %squeeze3A_430, %and3A_431 : i32
      %broadcast_in_dim3A_433 = vector.broadcast %and3A_432 : i32 to vector<16xi32>
      %mul3A_434 = arith.constant 72 : i32
      %mul3A_435 = arith.muli %add3A_402, %mul3A_434 : i32
      %multiple_of3A_436 = tpu.assume_multiple %mul3A_435, 8 : i32
      %gather3A_437 = arith.constant 3 : i32
      %gather3A_438 = arith.constant 0 : i32
      %gather3A_439 = arith.constant 0 : i32
      %gather3A_440 = tpu.memref_slice %arg13[%gather3A_437, %gather3A_438, %gather3A_439] : memref<8x32x128xf32, #tpu.memory_space<vmem>> -> memref<1x32x128xf32, #tpu.memory_space<vmem>>
      %gather3A_441 = tpu.memref_squeeze %gather3A_440 : memref<1x32x128xf32, #tpu.memory_space<vmem>> -> memref<32x128xf32, #tpu.memory_space<vmem>>
      %gather3A_442 = tpu.vector_load_idx %gather3A_441[%iota3A, %broadcast_in_dim3A_433] : memref<32x128xf32, #tpu.memory_space<vmem>>[vector<16xi32>, vector<16xi32>], vector<16xf32>,
      %swap3A_443 = arith.index_cast %multiple_of3A_436 : i32 to index
      %swap3A_444 = tpu.vector_load %arg15[%swap3A_443] {strides = array<i32>} : memref<36864xf32, #tpu.memory_space<vmem>>, vector<16xf32>,
      tpu.vector_store %arg15[%swap3A_443], %gather3A_442 {strides = array<i32>} : memref<36864xf32, #tpu.memory_space<vmem>>, vector<16xf32>,
      %add3A_445 = arith.constant 16 : i32
      %add3A_446 = vector.broadcast %add3A_445 : i32 to vector<16xi32>
      %add3A_447 = arith.addi %iota3A, %add3A_446 : vector<16xi32>
      %gather3A_448 = arith.constant 3 : i32
      %gather3A_449 = arith.constant 0 : i32
      %gather3A_450 = arith.constant 0 : i32
      %gather3A_451 = tpu.memref_slice %arg13[%gather3A_448, %gather3A_449, %gather3A_450] : memref<8x32x128xf32, #tpu.memory_space<vmem>> -> memref<1x32x128xf32, #tpu.memory_space<vmem>>
      %gather3A_452 = tpu.memref_squeeze %gather3A_451 : memref<1x32x128xf32, #tpu.memory_space<vmem>> -> memref<32x128xf32, #tpu.memory_space<vmem>>
      %gather3A_453 = tpu.vector_load_idx %gather3A_452[%add3A_447, %broadcast_in_dim3A_433] : memref<32x128xf32, #tpu.memory_space<vmem>>[vector<16xi32>, vector<16xi32>], vector<16xf32>,
      %add3A_454 = arith.constant 16 : i32
      %add3A_455 = arith.addi %multiple_of3A_436, %add3A_454 : i32
      %swap3A_456 = arith.index_cast %add3A_455 : i32 to index
      %swap3A_457 = tpu.vector_load %arg15[%swap3A_456] {strides = array<i32>} : memref<36864xf32, #tpu.memory_space<vmem>>, vector<16xf32>,
      tpu.vector_store %arg15[%swap3A_456], %gather3A_453 {strides = array<i32>} : memref<36864xf32, #tpu.memory_space<vmem>>, vector<16xf32>,
      %add3A_458 = arith.constant 8 : i32
      %add3A_459 = arith.addi %add3A_402, %add3A_458 : i32
      %lt3A_460 = arith.constant 512 : i32
      %lt3A_461 = arith.cmpi slt, %add3A_459, %lt3A_460 : i32
      %convert_element_type3A_462 = arith.extui %lt3A_461 : i1 to i32
      %cond3A_463 = arith.constant 0 : i32
      %cond3A_464 = arith.cmpi ne, %convert_element_type3A_462, %cond3A_463 : i32
      scf.if %cond3A_464 {
        %add3A_721 = arith.constant 8 : i32
        %add3A_722 = arith.addi %add3A_402, %add3A_721 : i32
        %get3A_723 = arith.index_cast %add3A_722 : i32 to index
        %get3A_724 = tpu.vector_load %arg10[%get3A_723] {strides = array<i32>} : memref<528xi32, #tpu.memory_space<vmem>>, vector<16xi32>,
        %slice3A_725 = vector.extract_strided_slice %get3A_724 {offsets = [0], sizes = [1], strides = [1]} : vector<16xi32> to vector<1xi32>
        %squeeze3A_726 = vector.extract %slice3A_725[0] : i32 from vector<1xi32>
        %shift_right_arithmetic3A_727 = arith.constant 7 : i32
        %shift_right_arithmetic3A_728 = arith.shrsi %squeeze3A_726, %shift_right_arithmetic3A_727 : i32
        %mul3A_729 = arith.constant 128 : i32
        %mul3A_730 = arith.muli %shift_right_arithmetic3A_728, %mul3A_729 : i32
        %dma_start3A_731 = arith.constant 3 : i32
        %dma_start3A_732 = arith.constant 3 : i32
        %dma_start3A_733 = arith.constant 0 : i32
        %dma_start3A_734 = arith.constant 0 : i32
        %dma_start3A_735 = tpu.memref_slice %arg13[%dma_start3A_731, %dma_start3A_733, %dma_start3A_734] : memref<8x32x128xf32, #tpu.memory_space<vmem>> -> memref<1x32x128xf32, #tpu.memory_space<vmem>>
        %dma_start3A_736 = tpu.memref_squeeze %dma_start3A_735 : memref<1x32x128xf32, #tpu.memory_space<vmem>> -> memref<32x128xf32, #tpu.memory_space<vmem>>
        %dma_start3A_737 = arith.constant 0 : i32
        %dma_start3A_738 = tpu.memref_slice %arg4[%dma_start3A_737, %mul3A_730] : memref<32x1000001xf32, #tpu.memory_space<hbm>> -> memref<32x128xf32, #tpu.memory_space<hbm>>
        %dma_start3A_739 = tpu.memref_slice %arg18[%dma_start3A_732] : memref<8x!tpu.dma_semaphore, #tpu.memory_space<semaphore_mem>> -> memref<1x!tpu.dma_semaphore, #tpu.memory_space<semaphore_mem>>
        %dma_start3A_740 = tpu.memref_squeeze %dma_start3A_739 : memref<1x!tpu.dma_semaphore, #tpu.memory_space<semaphore_mem>> -> memref<!tpu.dma_semaphore, #tpu.memory_space<semaphore_mem>>
        %dma_start3A_741 = arith.constant 0 : i32
        %dma_start3A_742 = arith.constant 0 : i32
        %dma_start3A_743 = tpu.memref_slice %arg13[%dma_start3A_731, %dma_start3A_741, %dma_start3A_742] : memref<8x32x128xf32, #tpu.memory_space<vmem>> -> memref<1x32x128xf32, #tpu.memory_space<vmem>>
        %dma_start3A_744 = tpu.memref_squeeze %dma_start3A_743 : memref<1x32x128xf32, #tpu.memory_space<vmem>> -> memref<32x128xf32, #tpu.memory_space<vmem>>
        %dma_start3A_745 = arith.constant 0 : i32
        %dma_start3A_746 = tpu.memref_slice %arg4[%dma_start3A_745, %mul3A_730] : memref<32x1000001xf32, #tpu.memory_space<hbm>> -> memref<32x128xf32, #tpu.memory_space<hbm>>
        tpu.enqueue_dma source(%dma_start3A_746 : memref<32x128xf32, #tpu.memory_space<hbm>>) target(%dma_start3A_744 : memref<32x128xf32, #tpu.memory_space<vmem>>) target_semaphore(%dma_start3A_740 : memref<!tpu.dma_semaphore, #tpu.memory_space<semaphore_mem>>)
      } else {
      }
      %add3A_465 = arith.constant 4 : i32
      %add3A_466 = arith.addi %multiple_of3A, %add3A_465 : i32
      %get3A_467 = arith.index_cast %add3A_466 : i32 to index
      %get3A_468 = tpu.vector_load %arg10[%get3A_467] {strides = array<i32>} : memref<528xi32, #tpu.memory_space<vmem>>, vector<16xi32>,
      %slice3A_469 = vector.extract_strided_slice %get3A_468 {offsets = [0], sizes = [1], strides = [1]} : vector<16xi32> to vector<1xi32>
      %squeeze3A_470 = vector.extract %slice3A_469[0] : i32 from vector<1xi32>
      %shift_right_arithmetic3A_471 = arith.constant 7 : i32
      %shift_right_arithmetic3A_472 = arith.shrsi %squeeze3A_470, %shift_right_arithmetic3A_471 : i32
      %mul3A_473 = arith.constant 128 : i32
      %mul3A_474 = arith.muli %shift_right_arithmetic3A_472, %mul3A_473 : i32
      %dma_wait3A_475 = arith.constant 4 : i32
      %dma_wait3A_476 = arith.constant 4 : i32
      %dma_wait3A_477 = arith.constant 0 : i32
      %dma_wait3A_478 = arith.constant 0 : i32
      %dma_wait3A_479 = tpu.memref_slice %arg13[%dma_wait3A_475, %dma_wait3A_477, %dma_wait3A_478] : memref<8x32x128xf32, #tpu.memory_space<vmem>> -> memref<1x32x128xf32, #tpu.memory_space<vmem>>
      %dma_wait3A_480 = tpu.memref_squeeze %dma_wait3A_479 : memref<1x32x128xf32, #tpu.memory_space<vmem>> -> memref<32x128xf32, #tpu.memory_space<vmem>>
      %dma_wait3A_481 = arith.constant 0 : i32
      %dma_wait3A_482 = tpu.memref_slice %arg4[%dma_wait3A_481, %mul3A_474] : memref<32x1000001xf32, #tpu.memory_space<hbm>> -> memref<32x128xf32, #tpu.memory_space<hbm>>
      %dma_wait3A_483 = tpu.memref_slice %arg18[%dma_wait3A_476] : memref<8x!tpu.dma_semaphore, #tpu.memory_space<semaphore_mem>> -> memref<1x!tpu.dma_semaphore, #tpu.memory_space<semaphore_mem>>
      %dma_wait3A_484 = tpu.memref_squeeze %dma_wait3A_483 : memref<1x!tpu.dma_semaphore, #tpu.memory_space<semaphore_mem>> -> memref<!tpu.dma_semaphore, #tpu.memory_space<semaphore_mem>>
      %dma_wait3A_485 = arith.constant 0 : i32
      %dma_wait3A_486 = arith.constant 0 : i32
      %dma_wait3A_487 = tpu.memref_slice %arg13[%dma_wait3A_475, %dma_wait3A_485, %dma_wait3A_486] : memref<8x32x128xf32, #tpu.memory_space<vmem>> -> memref<1x32x128xf32, #tpu.memory_space<vmem>>
      %dma_wait3A_488 = tpu.memref_squeeze %dma_wait3A_487 : memref<1x32x128xf32, #tpu.memory_space<vmem>> -> memref<32x128xf32, #tpu.memory_space<vmem>>
      %dma_wait3A_489 = arith.constant 0 : i32
      %dma_wait3A_490 = tpu.memref_slice %arg4[%dma_wait3A_489, %mul3A_474] : memref<32x1000001xf32, #tpu.memory_space<hbm>> -> memref<32x128xf32, #tpu.memory_space<hbm>>
      tpu.wait_dma2 semaphore(%dma_wait3A_484 : memref<!tpu.dma_semaphore, #tpu.memory_space<semaphore_mem>>) src(%dma_wait3A_490 : memref<32x128xf32, #tpu.memory_space<hbm>>) dst(%dma_wait3A_488 : memref<32x128xf32, #tpu.memory_space<vmem>>)
      %get3A_491 = arith.index_cast %add3A_466 : i32 to index
      %get3A_492 = tpu.vector_load %arg10[%get3A_491] {strides = array<i32>} : memref<528xi32, #tpu.memory_space<vmem>>, vector<16xi32>,
      %slice3A_493 = vector.extract_strided_slice %get3A_492 {offsets = [0], sizes = [1], strides = [1]} : vector<16xi32> to vector<1xi32>
      %squeeze3A_494 = vector.extract %slice3A_493[0] : i32 from vector<1xi32>
      %and3A_495 = arith.constant 127 : i32
      %and3A_496 = arith.andi %squeeze3A_494, %and3A_495 : i32
      %broadcast_in_dim3A_497 = vector.broadcast %and3A_496 : i32 to vector<16xi32>
      %mul3A_498 = arith.constant 72 : i32
      %mul3A_499 = arith.muli %add3A_466, %mul3A_498 : i32
      %multiple_of3A_500 = tpu.assume_multiple %mul3A_499, 8 : i32
      %gather3A_501 = arith.constant 4 : i32
      %gather3A_502 = arith.constant 0 : i32
      %gather3A_503 = arith.constant 0 : i32
      %gather3A_504 = tpu.memref_slice %arg13[%gather3A_501, %gather3A_502, %gather3A_503] : memref<8x32x128xf32, #tpu.memory_space<vmem>> -> memref<1x32x128xf32, #tpu.memory_space<vmem>>
      %gather3A_505 = tpu.memref_squeeze %gather3A_504 : memref<1x32x128xf32, #tpu.memory_space<vmem>> -> memref<32x128xf32, #tpu.memory_space<vmem>>
      %gather3A_506 = tpu.vector_load_idx %gather3A_505[%iota3A, %broadcast_in_dim3A_497] : memref<32x128xf32, #tpu.memory_space<vmem>>[vector<16xi32>, vector<16xi32>], vector<16xf32>,
      %swap3A_507 = arith.index_cast %multiple_of3A_500 : i32 to index
      %swap3A_508 = tpu.vector_load %arg15[%swap3A_507] {strides = array<i32>} : memref<36864xf32, #tpu.memory_space<vmem>>, vector<16xf32>,
      tpu.vector_store %arg15[%swap3A_507], %gather3A_506 {strides = array<i32>} : memref<36864xf32, #tpu.memory_space<vmem>>, vector<16xf32>,
      %add3A_509 = arith.constant 16 : i32
      %add3A_510 = vector.broadcast %add3A_509 : i32 to vector<16xi32>
      %add3A_511 = arith.addi %iota3A, %add3A_510 : vector<16xi32>
      %gather3A_512 = arith.constant 4 : i32
      %gather3A_513 = arith.constant 0 : i32
      %gather3A_514 = arith.constant 0 : i32
      %gather3A_515 = tpu.memref_slice %arg13[%gather3A_512, %gather3A_513, %gather3A_514] : memref<8x32x128xf32, #tpu.memory_space<vmem>> -> memref<1x32x128xf32, #tpu.memory_space<vmem>>
      %gather3A_516 = tpu.memref_squeeze %gather3A_515 : memref<1x32x128xf32, #tpu.memory_space<vmem>> -> memref<32x128xf32, #tpu.memory_space<vmem>>
      %gather3A_517 = tpu.vector_load_idx %gather3A_516[%add3A_511, %broadcast_in_dim3A_497] : memref<32x128xf32, #tpu.memory_space<vmem>>[vector<16xi32>, vector<16xi32>], vector<16xf32>,
      %add3A_518 = arith.constant 16 : i32
      %add3A_519 = arith.addi %multiple_of3A_500, %add3A_518 : i32
      %swap3A_520 = arith.index_cast %add3A_519 : i32 to index
      %swap3A_521 = tpu.vector_load %arg15[%swap3A_520] {strides = array<i32>} : memref<36864xf32, #tpu.memory_space<vmem>>, vector<16xf32>,
      tpu.vector_store %arg15[%swap3A_520], %gather3A_517 {strides = array<i32>} : memref<36864xf32, #tpu.memory_space<vmem>>, vector<16xf32>,
      %add3A_522 = arith.constant 8 : i32
      %add3A_523 = arith.addi %add3A_466, %add3A_522 : i32
      %lt3A_524 = arith.constant 512 : i32
      %lt3A_525 = arith.cmpi slt, %add3A_523, %lt3A_524 : i32
      %convert_element_type3A_526 = arith.extui %lt3A_525 : i1 to i32
      %cond3A_527 = arith.constant 0 : i32
      %cond3A_528 = arith.cmpi ne, %convert_element_type3A_526, %cond3A_527 : i32
      scf.if %cond3A_528 {
        %add3A_721 = arith.constant 8 : i32
        %add3A_722 = arith.addi %add3A_466, %add3A_721 : i32
        %get3A_723 = arith.index_cast %add3A_722 : i32 to index
        %get3A_724 = tpu.vector_load %arg10[%get3A_723] {strides = array<i32>} : memref<528xi32, #tpu.memory_space<vmem>>, vector<16xi32>,
        %slice3A_725 = vector.extract_strided_slice %get3A_724 {offsets = [0], sizes = [1], strides = [1]} : vector<16xi32> to vector<1xi32>
        %squeeze3A_726 = vector.extract %slice3A_725[0] : i32 from vector<1xi32>
        %shift_right_arithmetic3A_727 = arith.constant 7 : i32
        %shift_right_arithmetic3A_728 = arith.shrsi %squeeze3A_726, %shift_right_arithmetic3A_727 : i32
        %mul3A_729 = arith.constant 128 : i32
        %mul3A_730 = arith.muli %shift_right_arithmetic3A_728, %mul3A_729 : i32
        %dma_start3A_731 = arith.constant 4 : i32
        %dma_start3A_732 = arith.constant 4 : i32
        %dma_start3A_733 = arith.constant 0 : i32
        %dma_start3A_734 = arith.constant 0 : i32
        %dma_start3A_735 = tpu.memref_slice %arg13[%dma_start3A_731, %dma_start3A_733, %dma_start3A_734] : memref<8x32x128xf32, #tpu.memory_space<vmem>> -> memref<1x32x128xf32, #tpu.memory_space<vmem>>
        %dma_start3A_736 = tpu.memref_squeeze %dma_start3A_735 : memref<1x32x128xf32, #tpu.memory_space<vmem>> -> memref<32x128xf32, #tpu.memory_space<vmem>>
        %dma_start3A_737 = arith.constant 0 : i32
        %dma_start3A_738 = tpu.memref_slice %arg4[%dma_start3A_737, %mul3A_730] : memref<32x1000001xf32, #tpu.memory_space<hbm>> -> memref<32x128xf32, #tpu.memory_space<hbm>>
        %dma_start3A_739 = tpu.memref_slice %arg18[%dma_start3A_732] : memref<8x!tpu.dma_semaphore, #tpu.memory_space<semaphore_mem>> -> memref<1x!tpu.dma_semaphore, #tpu.memory_space<semaphore_mem>>
        %dma_start3A_740 = tpu.memref_squeeze %dma_start3A_739 : memref<1x!tpu.dma_semaphore, #tpu.memory_space<semaphore_mem>> -> memref<!tpu.dma_semaphore, #tpu.memory_space<semaphore_mem>>
        %dma_start3A_741 = arith.constant 0 : i32
        %dma_start3A_742 = arith.constant 0 : i32
        %dma_start3A_743 = tpu.memref_slice %arg13[%dma_start3A_731, %dma_start3A_741, %dma_start3A_742] : memref<8x32x128xf32, #tpu.memory_space<vmem>> -> memref<1x32x128xf32, #tpu.memory_space<vmem>>
        %dma_start3A_744 = tpu.memref_squeeze %dma_start3A_743 : memref<1x32x128xf32, #tpu.memory_space<vmem>> -> memref<32x128xf32, #tpu.memory_space<vmem>>
        %dma_start3A_745 = arith.constant 0 : i32
        %dma_start3A_746 = tpu.memref_slice %arg4[%dma_start3A_745, %mul3A_730] : memref<32x1000001xf32, #tpu.memory_space<hbm>> -> memref<32x128xf32, #tpu.memory_space<hbm>>
        tpu.enqueue_dma source(%dma_start3A_746 : memref<32x128xf32, #tpu.memory_space<hbm>>) target(%dma_start3A_744 : memref<32x128xf32, #tpu.memory_space<vmem>>) target_semaphore(%dma_start3A_740 : memref<!tpu.dma_semaphore, #tpu.memory_space<semaphore_mem>>)
      } else {
      }
      %add3A_529 = arith.constant 5 : i32
      %add3A_530 = arith.addi %multiple_of3A, %add3A_529 : i32
      %get3A_531 = arith.index_cast %add3A_530 : i32 to index
      %get3A_532 = tpu.vector_load %arg10[%get3A_531] {strides = array<i32>} : memref<528xi32, #tpu.memory_space<vmem>>, vector<16xi32>,
      %slice3A_533 = vector.extract_strided_slice %get3A_532 {offsets = [0], sizes = [1], strides = [1]} : vector<16xi32> to vector<1xi32>
      %squeeze3A_534 = vector.extract %slice3A_533[0] : i32 from vector<1xi32>
      %shift_right_arithmetic3A_535 = arith.constant 7 : i32
      %shift_right_arithmetic3A_536 = arith.shrsi %squeeze3A_534, %shift_right_arithmetic3A_535 : i32
      %mul3A_537 = arith.constant 128 : i32
      %mul3A_538 = arith.muli %shift_right_arithmetic3A_536, %mul3A_537 : i32
      %dma_wait3A_539 = arith.constant 5 : i32
      %dma_wait3A_540 = arith.constant 5 : i32
      %dma_wait3A_541 = arith.constant 0 : i32
      %dma_wait3A_542 = arith.constant 0 : i32
      %dma_wait3A_543 = tpu.memref_slice %arg13[%dma_wait3A_539, %dma_wait3A_541, %dma_wait3A_542] : memref<8x32x128xf32, #tpu.memory_space<vmem>> -> memref<1x32x128xf32, #tpu.memory_space<vmem>>
      %dma_wait3A_544 = tpu.memref_squeeze %dma_wait3A_543 : memref<1x32x128xf32, #tpu.memory_space<vmem>> -> memref<32x128xf32, #tpu.memory_space<vmem>>
      %dma_wait3A_545 = arith.constant 0 : i32
      %dma_wait3A_546 = tpu.memref_slice %arg4[%dma_wait3A_545, %mul3A_538] : memref<32x1000001xf32, #tpu.memory_space<hbm>> -> memref<32x128xf32, #tpu.memory_space<hbm>>
      %dma_wait3A_547 = tpu.memref_slice %arg18[%dma_wait3A_540] : memref<8x!tpu.dma_semaphore, #tpu.memory_space<semaphore_mem>> -> memref<1x!tpu.dma_semaphore, #tpu.memory_space<semaphore_mem>>
      %dma_wait3A_548 = tpu.memref_squeeze %dma_wait3A_547 : memref<1x!tpu.dma_semaphore, #tpu.memory_space<semaphore_mem>> -> memref<!tpu.dma_semaphore, #tpu.memory_space<semaphore_mem>>
      %dma_wait3A_549 = arith.constant 0 : i32
      %dma_wait3A_550 = arith.constant 0 : i32
      %dma_wait3A_551 = tpu.memref_slice %arg13[%dma_wait3A_539, %dma_wait3A_549, %dma_wait3A_550] : memref<8x32x128xf32, #tpu.memory_space<vmem>> -> memref<1x32x128xf32, #tpu.memory_space<vmem>>
      %dma_wait3A_552 = tpu.memref_squeeze %dma_wait3A_551 : memref<1x32x128xf32, #tpu.memory_space<vmem>> -> memref<32x128xf32, #tpu.memory_space<vmem>>
      %dma_wait3A_553 = arith.constant 0 : i32
      %dma_wait3A_554 = tpu.memref_slice %arg4[%dma_wait3A_553, %mul3A_538] : memref<32x1000001xf32, #tpu.memory_space<hbm>> -> memref<32x128xf32, #tpu.memory_space<hbm>>
      tpu.wait_dma2 semaphore(%dma_wait3A_548 : memref<!tpu.dma_semaphore, #tpu.memory_space<semaphore_mem>>) src(%dma_wait3A_554 : memref<32x128xf32, #tpu.memory_space<hbm>>) dst(%dma_wait3A_552 : memref<32x128xf32, #tpu.memory_space<vmem>>)
      %get3A_555 = arith.index_cast %add3A_530 : i32 to index
      %get3A_556 = tpu.vector_load %arg10[%get3A_555] {strides = array<i32>} : memref<528xi32, #tpu.memory_space<vmem>>, vector<16xi32>,
      %slice3A_557 = vector.extract_strided_slice %get3A_556 {offsets = [0], sizes = [1], strides = [1]} : vector<16xi32> to vector<1xi32>
      %squeeze3A_558 = vector.extract %slice3A_557[0] : i32 from vector<1xi32>
      %and3A_559 = arith.constant 127 : i32
      %and3A_560 = arith.andi %squeeze3A_558, %and3A_559 : i32
      %broadcast_in_dim3A_561 = vector.broadcast %and3A_560 : i32 to vector<16xi32>
      %mul3A_562 = arith.constant 72 : i32
      %mul3A_563 = arith.muli %add3A_530, %mul3A_562 : i32
      %multiple_of3A_564 = tpu.assume_multiple %mul3A_563, 8 : i32
      %gather3A_565 = arith.constant 5 : i32
      %gather3A_566 = arith.constant 0 : i32
      %gather3A_567 = arith.constant 0 : i32
      %gather3A_568 = tpu.memref_slice %arg13[%gather3A_565, %gather3A_566, %gather3A_567] : memref<8x32x128xf32, #tpu.memory_space<vmem>> -> memref<1x32x128xf32, #tpu.memory_space<vmem>>
      %gather3A_569 = tpu.memref_squeeze %gather3A_568 : memref<1x32x128xf32, #tpu.memory_space<vmem>> -> memref<32x128xf32, #tpu.memory_space<vmem>>
      %gather3A_570 = tpu.vector_load_idx %gather3A_569[%iota3A, %broadcast_in_dim3A_561] : memref<32x128xf32, #tpu.memory_space<vmem>>[vector<16xi32>, vector<16xi32>], vector<16xf32>,
      %swap3A_571 = arith.index_cast %multiple_of3A_564 : i32 to index
      %swap3A_572 = tpu.vector_load %arg15[%swap3A_571] {strides = array<i32>} : memref<36864xf32, #tpu.memory_space<vmem>>, vector<16xf32>,
      tpu.vector_store %arg15[%swap3A_571], %gather3A_570 {strides = array<i32>} : memref<36864xf32, #tpu.memory_space<vmem>>, vector<16xf32>,
      %add3A_573 = arith.constant 16 : i32
      %add3A_574 = vector.broadcast %add3A_573 : i32 to vector<16xi32>
      %add3A_575 = arith.addi %iota3A, %add3A_574 : vector<16xi32>
      %gather3A_576 = arith.constant 5 : i32
      %gather3A_577 = arith.constant 0 : i32
      %gather3A_578 = arith.constant 0 : i32
      %gather3A_579 = tpu.memref_slice %arg13[%gather3A_576, %gather3A_577, %gather3A_578] : memref<8x32x128xf32, #tpu.memory_space<vmem>> -> memref<1x32x128xf32, #tpu.memory_space<vmem>>
      %gather3A_580 = tpu.memref_squeeze %gather3A_579 : memref<1x32x128xf32, #tpu.memory_space<vmem>> -> memref<32x128xf32, #tpu.memory_space<vmem>>
      %gather3A_581 = tpu.vector_load_idx %gather3A_580[%add3A_575, %broadcast_in_dim3A_561] : memref<32x128xf32, #tpu.memory_space<vmem>>[vector<16xi32>, vector<16xi32>], vector<16xf32>,
      %add3A_582 = arith.constant 16 : i32
      %add3A_583 = arith.addi %multiple_of3A_564, %add3A_582 : i32
      %swap3A_584 = arith.index_cast %add3A_583 : i32 to index
      %swap3A_585 = tpu.vector_load %arg15[%swap3A_584] {strides = array<i32>} : memref<36864xf32, #tpu.memory_space<vmem>>, vector<16xf32>,
      tpu.vector_store %arg15[%swap3A_584], %gather3A_581 {strides = array<i32>} : memref<36864xf32, #tpu.memory_space<vmem>>, vector<16xf32>,
      %add3A_586 = arith.constant 8 : i32
      %add3A_587 = arith.addi %add3A_530, %add3A_586 : i32
      %lt3A_588 = arith.constant 512 : i32
      %lt3A_589 = arith.cmpi slt, %add3A_587, %lt3A_588 : i32
      %convert_element_type3A_590 = arith.extui %lt3A_589 : i1 to i32
      %cond3A_591 = arith.constant 0 : i32
      %cond3A_592 = arith.cmpi ne, %convert_element_type3A_590, %cond3A_591 : i32
      scf.if %cond3A_592 {
        %add3A_721 = arith.constant 8 : i32
        %add3A_722 = arith.addi %add3A_530, %add3A_721 : i32
        %get3A_723 = arith.index_cast %add3A_722 : i32 to index
        %get3A_724 = tpu.vector_load %arg10[%get3A_723] {strides = array<i32>} : memref<528xi32, #tpu.memory_space<vmem>>, vector<16xi32>,
        %slice3A_725 = vector.extract_strided_slice %get3A_724 {offsets = [0], sizes = [1], strides = [1]} : vector<16xi32> to vector<1xi32>
        %squeeze3A_726 = vector.extract %slice3A_725[0] : i32 from vector<1xi32>
        %shift_right_arithmetic3A_727 = arith.constant 7 : i32
        %shift_right_arithmetic3A_728 = arith.shrsi %squeeze3A_726, %shift_right_arithmetic3A_727 : i32
        %mul3A_729 = arith.constant 128 : i32
        %mul3A_730 = arith.muli %shift_right_arithmetic3A_728, %mul3A_729 : i32
        %dma_start3A_731 = arith.constant 5 : i32
        %dma_start3A_732 = arith.constant 5 : i32
        %dma_start3A_733 = arith.constant 0 : i32
        %dma_start3A_734 = arith.constant 0 : i32
        %dma_start3A_735 = tpu.memref_slice %arg13[%dma_start3A_731, %dma_start3A_733, %dma_start3A_734] : memref<8x32x128xf32, #tpu.memory_space<vmem>> -> memref<1x32x128xf32, #tpu.memory_space<vmem>>
        %dma_start3A_736 = tpu.memref_squeeze %dma_start3A_735 : memref<1x32x128xf32, #tpu.memory_space<vmem>> -> memref<32x128xf32, #tpu.memory_space<vmem>>
        %dma_start3A_737 = arith.constant 0 : i32
        %dma_start3A_738 = tpu.memref_slice %arg4[%dma_start3A_737, %mul3A_730] : memref<32x1000001xf32, #tpu.memory_space<hbm>> -> memref<32x128xf32, #tpu.memory_space<hbm>>
        %dma_start3A_739 = tpu.memref_slice %arg18[%dma_start3A_732] : memref<8x!tpu.dma_semaphore, #tpu.memory_space<semaphore_mem>> -> memref<1x!tpu.dma_semaphore, #tpu.memory_space<semaphore_mem>>
        %dma_start3A_740 = tpu.memref_squeeze %dma_start3A_739 : memref<1x!tpu.dma_semaphore, #tpu.memory_space<semaphore_mem>> -> memref<!tpu.dma_semaphore, #tpu.memory_space<semaphore_mem>>
        %dma_start3A_741 = arith.constant 0 : i32
        %dma_start3A_742 = arith.constant 0 : i32
        %dma_start3A_743 = tpu.memref_slice %arg13[%dma_start3A_731, %dma_start3A_741, %dma_start3A_742] : memref<8x32x128xf32, #tpu.memory_space<vmem>> -> memref<1x32x128xf32, #tpu.memory_space<vmem>>
        %dma_start3A_744 = tpu.memref_squeeze %dma_start3A_743 : memref<1x32x128xf32, #tpu.memory_space<vmem>> -> memref<32x128xf32, #tpu.memory_space<vmem>>
        %dma_start3A_745 = arith.constant 0 : i32
        %dma_start3A_746 = tpu.memref_slice %arg4[%dma_start3A_745, %mul3A_730] : memref<32x1000001xf32, #tpu.memory_space<hbm>> -> memref<32x128xf32, #tpu.memory_space<hbm>>
        tpu.enqueue_dma source(%dma_start3A_746 : memref<32x128xf32, #tpu.memory_space<hbm>>) target(%dma_start3A_744 : memref<32x128xf32, #tpu.memory_space<vmem>>) target_semaphore(%dma_start3A_740 : memref<!tpu.dma_semaphore, #tpu.memory_space<semaphore_mem>>)
      } else {
      }
      %add3A_593 = arith.constant 6 : i32
      %add3A_594 = arith.addi %multiple_of3A, %add3A_593 : i32
      %get3A_595 = arith.index_cast %add3A_594 : i32 to index
      %get3A_596 = tpu.vector_load %arg10[%get3A_595] {strides = array<i32>} : memref<528xi32, #tpu.memory_space<vmem>>, vector<16xi32>,
      %slice3A_597 = vector.extract_strided_slice %get3A_596 {offsets = [0], sizes = [1], strides = [1]} : vector<16xi32> to vector<1xi32>
      %squeeze3A_598 = vector.extract %slice3A_597[0] : i32 from vector<1xi32>
      %shift_right_arithmetic3A_599 = arith.constant 7 : i32
      %shift_right_arithmetic3A_600 = arith.shrsi %squeeze3A_598, %shift_right_arithmetic3A_599 : i32
      %mul3A_601 = arith.constant 128 : i32
      %mul3A_602 = arith.muli %shift_right_arithmetic3A_600, %mul3A_601 : i32
      %dma_wait3A_603 = arith.constant 6 : i32
      %dma_wait3A_604 = arith.constant 6 : i32
      %dma_wait3A_605 = arith.constant 0 : i32
      %dma_wait3A_606 = arith.constant 0 : i32
      %dma_wait3A_607 = tpu.memref_slice %arg13[%dma_wait3A_603, %dma_wait3A_605, %dma_wait3A_606] : memref<8x32x128xf32, #tpu.memory_space<vmem>> -> memref<1x32x128xf32, #tpu.memory_space<vmem>>
      %dma_wait3A_608 = tpu.memref_squeeze %dma_wait3A_607 : memref<1x32x128xf32, #tpu.memory_space<vmem>> -> memref<32x128xf32, #tpu.memory_space<vmem>>
      %dma_wait3A_609 = arith.constant 0 : i32
      %dma_wait3A_610 = tpu.memref_slice %arg4[%dma_wait3A_609, %mul3A_602] : memref<32x1000001xf32, #tpu.memory_space<hbm>> -> memref<32x128xf32, #tpu.memory_space<hbm>>
      %dma_wait3A_611 = tpu.memref_slice %arg18[%dma_wait3A_604] : memref<8x!tpu.dma_semaphore, #tpu.memory_space<semaphore_mem>> -> memref<1x!tpu.dma_semaphore, #tpu.memory_space<semaphore_mem>>
      %dma_wait3A_612 = tpu.memref_squeeze %dma_wait3A_611 : memref<1x!tpu.dma_semaphore, #tpu.memory_space<semaphore_mem>> -> memref<!tpu.dma_semaphore, #tpu.memory_space<semaphore_mem>>
      %dma_wait3A_613 = arith.constant 0 : i32
      %dma_wait3A_614 = arith.constant 0 : i32
      %dma_wait3A_615 = tpu.memref_slice %arg13[%dma_wait3A_603, %dma_wait3A_613, %dma_wait3A_614] : memref<8x32x128xf32, #tpu.memory_space<vmem>> -> memref<1x32x128xf32, #tpu.memory_space<vmem>>
      %dma_wait3A_616 = tpu.memref_squeeze %dma_wait3A_615 : memref<1x32x128xf32, #tpu.memory_space<vmem>> -> memref<32x128xf32, #tpu.memory_space<vmem>>
      %dma_wait3A_617 = arith.constant 0 : i32
      %dma_wait3A_618 = tpu.memref_slice %arg4[%dma_wait3A_617, %mul3A_602] : memref<32x1000001xf32, #tpu.memory_space<hbm>> -> memref<32x128xf32, #tpu.memory_space<hbm>>
      tpu.wait_dma2 semaphore(%dma_wait3A_612 : memref<!tpu.dma_semaphore, #tpu.memory_space<semaphore_mem>>) src(%dma_wait3A_618 : memref<32x128xf32, #tpu.memory_space<hbm>>) dst(%dma_wait3A_616 : memref<32x128xf32, #tpu.memory_space<vmem>>)
      %get3A_619 = arith.index_cast %add3A_594 : i32 to index
      %get3A_620 = tpu.vector_load %arg10[%get3A_619] {strides = array<i32>} : memref<528xi32, #tpu.memory_space<vmem>>, vector<16xi32>,
      %slice3A_621 = vector.extract_strided_slice %get3A_620 {offsets = [0], sizes = [1], strides = [1]} : vector<16xi32> to vector<1xi32>
      %squeeze3A_622 = vector.extract %slice3A_621[0] : i32 from vector<1xi32>
      %and3A_623 = arith.constant 127 : i32
      %and3A_624 = arith.andi %squeeze3A_622, %and3A_623 : i32
      %broadcast_in_dim3A_625 = vector.broadcast %and3A_624 : i32 to vector<16xi32>
      %mul3A_626 = arith.constant 72 : i32
      %mul3A_627 = arith.muli %add3A_594, %mul3A_626 : i32
      %multiple_of3A_628 = tpu.assume_multiple %mul3A_627, 8 : i32
      %gather3A_629 = arith.constant 6 : i32
      %gather3A_630 = arith.constant 0 : i32
      %gather3A_631 = arith.constant 0 : i32
      %gather3A_632 = tpu.memref_slice %arg13[%gather3A_629, %gather3A_630, %gather3A_631] : memref<8x32x128xf32, #tpu.memory_space<vmem>> -> memref<1x32x128xf32, #tpu.memory_space<vmem>>
      %gather3A_633 = tpu.memref_squeeze %gather3A_632 : memref<1x32x128xf32, #tpu.memory_space<vmem>> -> memref<32x128xf32, #tpu.memory_space<vmem>>
      %gather3A_634 = tpu.vector_load_idx %gather3A_633[%iota3A, %broadcast_in_dim3A_625] : memref<32x128xf32, #tpu.memory_space<vmem>>[vector<16xi32>, vector<16xi32>], vector<16xf32>,
      %swap3A_635 = arith.index_cast %multiple_of3A_628 : i32 to index
      %swap3A_636 = tpu.vector_load %arg15[%swap3A_635] {strides = array<i32>} : memref<36864xf32, #tpu.memory_space<vmem>>, vector<16xf32>,
      tpu.vector_store %arg15[%swap3A_635], %gather3A_634 {strides = array<i32>} : memref<36864xf32, #tpu.memory_space<vmem>>, vector<16xf32>,
      %add3A_637 = arith.constant 16 : i32
      %add3A_638 = vector.broadcast %add3A_637 : i32 to vector<16xi32>
      %add3A_639 = arith.addi %iota3A, %add3A_638 : vector<16xi32>
      %gather3A_640 = arith.constant 6 : i32
      %gather3A_641 = arith.constant 0 : i32
      %gather3A_642 = arith.constant 0 : i32
      %gather3A_643 = tpu.memref_slice %arg13[%gather3A_640, %gather3A_641, %gather3A_642] : memref<8x32x128xf32, #tpu.memory_space<vmem>> -> memref<1x32x128xf32, #tpu.memory_space<vmem>>
      %gather3A_644 = tpu.memref_squeeze %gather3A_643 : memref<1x32x128xf32, #tpu.memory_space<vmem>> -> memref<32x128xf32, #tpu.memory_space<vmem>>
      %gather3A_645 = tpu.vector_load_idx %gather3A_644[%add3A_639, %broadcast_in_dim3A_625] : memref<32x128xf32, #tpu.memory_space<vmem>>[vector<16xi32>, vector<16xi32>], vector<16xf32>,
      %add3A_646 = arith.constant 16 : i32
      %add3A_647 = arith.addi %multiple_of3A_628, %add3A_646 : i32
      %swap3A_648 = arith.index_cast %add3A_647 : i32 to index
      %swap3A_649 = tpu.vector_load %arg15[%swap3A_648] {strides = array<i32>} : memref<36864xf32, #tpu.memory_space<vmem>>, vector<16xf32>,
      tpu.vector_store %arg15[%swap3A_648], %gather3A_645 {strides = array<i32>} : memref<36864xf32, #tpu.memory_space<vmem>>, vector<16xf32>,
      %add3A_650 = arith.constant 8 : i32
      %add3A_651 = arith.addi %add3A_594, %add3A_650 : i32
      %lt3A_652 = arith.constant 512 : i32
      %lt3A_653 = arith.cmpi slt, %add3A_651, %lt3A_652 : i32
      %convert_element_type3A_654 = arith.extui %lt3A_653 : i1 to i32
      %cond3A_655 = arith.constant 0 : i32
      %cond3A_656 = arith.cmpi ne, %convert_element_type3A_654, %cond3A_655 : i32
      scf.if %cond3A_656 {
        %add3A_721 = arith.constant 8 : i32
        %add3A_722 = arith.addi %add3A_594, %add3A_721 : i32
        %get3A_723 = arith.index_cast %add3A_722 : i32 to index
        %get3A_724 = tpu.vector_load %arg10[%get3A_723] {strides = array<i32>} : memref<528xi32, #tpu.memory_space<vmem>>, vector<16xi32>,
        %slice3A_725 = vector.extract_strided_slice %get3A_724 {offsets = [0], sizes = [1], strides = [1]} : vector<16xi32> to vector<1xi32>
        %squeeze3A_726 = vector.extract %slice3A_725[0] : i32 from vector<1xi32>
        %shift_right_arithmetic3A_727 = arith.constant 7 : i32
        %shift_right_arithmetic3A_728 = arith.shrsi %squeeze3A_726, %shift_right_arithmetic3A_727 : i32
        %mul3A_729 = arith.constant 128 : i32
        %mul3A_730 = arith.muli %shift_right_arithmetic3A_728, %mul3A_729 : i32
        %dma_start3A_731 = arith.constant 6 : i32
        %dma_start3A_732 = arith.constant 6 : i32
        %dma_start3A_733 = arith.constant 0 : i32
        %dma_start3A_734 = arith.constant 0 : i32
        %dma_start3A_735 = tpu.memref_slice %arg13[%dma_start3A_731, %dma_start3A_733, %dma_start3A_734] : memref<8x32x128xf32, #tpu.memory_space<vmem>> -> memref<1x32x128xf32, #tpu.memory_space<vmem>>
        %dma_start3A_736 = tpu.memref_squeeze %dma_start3A_735 : memref<1x32x128xf32, #tpu.memory_space<vmem>> -> memref<32x128xf32, #tpu.memory_space<vmem>>
        %dma_start3A_737 = arith.constant 0 : i32
        %dma_start3A_738 = tpu.memref_slice %arg4[%dma_start3A_737, %mul3A_730] : memref<32x1000001xf32, #tpu.memory_space<hbm>> -> memref<32x128xf32, #tpu.memory_space<hbm>>
        %dma_start3A_739 = tpu.memref_slice %arg18[%dma_start3A_732] : memref<8x!tpu.dma_semaphore, #tpu.memory_space<semaphore_mem>> -> memref<1x!tpu.dma_semaphore, #tpu.memory_space<semaphore_mem>>
        %dma_start3A_740 = tpu.memref_squeeze %dma_start3A_739 : memref<1x!tpu.dma_semaphore, #tpu.memory_space<semaphore_mem>> -> memref<!tpu.dma_semaphore, #tpu.memory_space<semaphore_mem>>
        %dma_start3A_741 = arith.constant 0 : i32
        %dma_start3A_742 = arith.constant 0 : i32
        %dma_start3A_743 = tpu.memref_slice %arg13[%dma_start3A_731, %dma_start3A_741, %dma_start3A_742] : memref<8x32x128xf32, #tpu.memory_space<vmem>> -> memref<1x32x128xf32, #tpu.memory_space<vmem>>
        %dma_start3A_744 = tpu.memref_squeeze %dma_start3A_743 : memref<1x32x128xf32, #tpu.memory_space<vmem>> -> memref<32x128xf32, #tpu.memory_space<vmem>>
        %dma_start3A_745 = arith.constant 0 : i32
        %dma_start3A_746 = tpu.memref_slice %arg4[%dma_start3A_745, %mul3A_730] : memref<32x1000001xf32, #tpu.memory_space<hbm>> -> memref<32x128xf32, #tpu.memory_space<hbm>>
        tpu.enqueue_dma source(%dma_start3A_746 : memref<32x128xf32, #tpu.memory_space<hbm>>) target(%dma_start3A_744 : memref<32x128xf32, #tpu.memory_space<vmem>>) target_semaphore(%dma_start3A_740 : memref<!tpu.dma_semaphore, #tpu.memory_space<semaphore_mem>>)
      } else {
      }
      %add3A_657 = arith.constant 7 : i32
      %add3A_658 = arith.addi %multiple_of3A, %add3A_657 : i32
      %get3A_659 = arith.index_cast %add3A_658 : i32 to index
      %get3A_660 = tpu.vector_load %arg10[%get3A_659] {strides = array<i32>} : memref<528xi32, #tpu.memory_space<vmem>>, vector<16xi32>,
      %slice3A_661 = vector.extract_strided_slice %get3A_660 {offsets = [0], sizes = [1], strides = [1]} : vector<16xi32> to vector<1xi32>
      %squeeze3A_662 = vector.extract %slice3A_661[0] : i32 from vector<1xi32>
      %shift_right_arithmetic3A_663 = arith.constant 7 : i32
      %shift_right_arithmetic3A_664 = arith.shrsi %squeeze3A_662, %shift_right_arithmetic3A_663 : i32
      %mul3A_665 = arith.constant 128 : i32
      %mul3A_666 = arith.muli %shift_right_arithmetic3A_664, %mul3A_665 : i32
      %dma_wait3A_667 = arith.constant 7 : i32
      %dma_wait3A_668 = arith.constant 7 : i32
      %dma_wait3A_669 = arith.constant 0 : i32
      %dma_wait3A_670 = arith.constant 0 : i32
      %dma_wait3A_671 = tpu.memref_slice %arg13[%dma_wait3A_667, %dma_wait3A_669, %dma_wait3A_670] : memref<8x32x128xf32, #tpu.memory_space<vmem>> -> memref<1x32x128xf32, #tpu.memory_space<vmem>>
      %dma_wait3A_672 = tpu.memref_squeeze %dma_wait3A_671 : memref<1x32x128xf32, #tpu.memory_space<vmem>> -> memref<32x128xf32, #tpu.memory_space<vmem>>
      %dma_wait3A_673 = arith.constant 0 : i32
      %dma_wait3A_674 = tpu.memref_slice %arg4[%dma_wait3A_673, %mul3A_666] : memref<32x1000001xf32, #tpu.memory_space<hbm>> -> memref<32x128xf32, #tpu.memory_space<hbm>>
      %dma_wait3A_675 = tpu.memref_slice %arg18[%dma_wait3A_668] : memref<8x!tpu.dma_semaphore, #tpu.memory_space<semaphore_mem>> -> memref<1x!tpu.dma_semaphore, #tpu.memory_space<semaphore_mem>>
      %dma_wait3A_676 = tpu.memref_squeeze %dma_wait3A_675 : memref<1x!tpu.dma_semaphore, #tpu.memory_space<semaphore_mem>> -> memref<!tpu.dma_semaphore, #tpu.memory_space<semaphore_mem>>
      %dma_wait3A_677 = arith.constant 0 : i32
      %dma_wait3A_678 = arith.constant 0 : i32
      %dma_wait3A_679 = tpu.memref_slice %arg13[%dma_wait3A_667, %dma_wait3A_677, %dma_wait3A_678] : memref<8x32x128xf32, #tpu.memory_space<vmem>> -> memref<1x32x128xf32, #tpu.memory_space<vmem>>
      %dma_wait3A_680 = tpu.memref_squeeze %dma_wait3A_679 : memref<1x32x128xf32, #tpu.memory_space<vmem>> -> memref<32x128xf32, #tpu.memory_space<vmem>>
      %dma_wait3A_681 = arith.constant 0 : i32
      %dma_wait3A_682 = tpu.memref_slice %arg4[%dma_wait3A_681, %mul3A_666] : memref<32x1000001xf32, #tpu.memory_space<hbm>> -> memref<32x128xf32, #tpu.memory_space<hbm>>
      tpu.wait_dma2 semaphore(%dma_wait3A_676 : memref<!tpu.dma_semaphore, #tpu.memory_space<semaphore_mem>>) src(%dma_wait3A_682 : memref<32x128xf32, #tpu.memory_space<hbm>>) dst(%dma_wait3A_680 : memref<32x128xf32, #tpu.memory_space<vmem>>)
      %get3A_683 = arith.index_cast %add3A_658 : i32 to index
      %get3A_684 = tpu.vector_load %arg10[%get3A_683] {strides = array<i32>} : memref<528xi32, #tpu.memory_space<vmem>>, vector<16xi32>,
      %slice3A_685 = vector.extract_strided_slice %get3A_684 {offsets = [0], sizes = [1], strides = [1]} : vector<16xi32> to vector<1xi32>
      %squeeze3A_686 = vector.extract %slice3A_685[0] : i32 from vector<1xi32>
      %and3A_687 = arith.constant 127 : i32
      %and3A_688 = arith.andi %squeeze3A_686, %and3A_687 : i32
      %broadcast_in_dim3A_689 = vector.broadcast %and3A_688 : i32 to vector<16xi32>
      %mul3A_690 = arith.constant 72 : i32
      %mul3A_691 = arith.muli %add3A_658, %mul3A_690 : i32
      %multiple_of3A_692 = tpu.assume_multiple %mul3A_691, 8 : i32
      %gather3A_693 = arith.constant 7 : i32
      %gather3A_694 = arith.constant 0 : i32
      %gather3A_695 = arith.constant 0 : i32
      %gather3A_696 = tpu.memref_slice %arg13[%gather3A_693, %gather3A_694, %gather3A_695] : memref<8x32x128xf32, #tpu.memory_space<vmem>> -> memref<1x32x128xf32, #tpu.memory_space<vmem>>
      %gather3A_697 = tpu.memref_squeeze %gather3A_696 : memref<1x32x128xf32, #tpu.memory_space<vmem>> -> memref<32x128xf32, #tpu.memory_space<vmem>>
      %gather3A_698 = tpu.vector_load_idx %gather3A_697[%iota3A, %broadcast_in_dim3A_689] : memref<32x128xf32, #tpu.memory_space<vmem>>[vector<16xi32>, vector<16xi32>], vector<16xf32>,
      %swap3A_699 = arith.index_cast %multiple_of3A_692 : i32 to index
      %swap3A_700 = tpu.vector_load %arg15[%swap3A_699] {strides = array<i32>} : memref<36864xf32, #tpu.memory_space<vmem>>, vector<16xf32>,
      tpu.vector_store %arg15[%swap3A_699], %gather3A_698 {strides = array<i32>} : memref<36864xf32, #tpu.memory_space<vmem>>, vector<16xf32>,
      %add3A_701 = arith.constant 16 : i32
      %add3A_702 = vector.broadcast %add3A_701 : i32 to vector<16xi32>
      %add3A_703 = arith.addi %iota3A, %add3A_702 : vector<16xi32>
      %gather3A_704 = arith.constant 7 : i32
      %gather3A_705 = arith.constant 0 : i32
      %gather3A_706 = arith.constant 0 : i32
      %gather3A_707 = tpu.memref_slice %arg13[%gather3A_704, %gather3A_705, %gather3A_706] : memref<8x32x128xf32, #tpu.memory_space<vmem>> -> memref<1x32x128xf32, #tpu.memory_space<vmem>>
      %gather3A_708 = tpu.memref_squeeze %gather3A_707 : memref<1x32x128xf32, #tpu.memory_space<vmem>> -> memref<32x128xf32, #tpu.memory_space<vmem>>
      %gather3A_709 = tpu.vector_load_idx %gather3A_708[%add3A_703, %broadcast_in_dim3A_689] : memref<32x128xf32, #tpu.memory_space<vmem>>[vector<16xi32>, vector<16xi32>], vector<16xf32>,
      %add3A_710 = arith.constant 16 : i32
      %add3A_711 = arith.addi %multiple_of3A_692, %add3A_710 : i32
      %swap3A_712 = arith.index_cast %add3A_711 : i32 to index
      %swap3A_713 = tpu.vector_load %arg15[%swap3A_712] {strides = array<i32>} : memref<36864xf32, #tpu.memory_space<vmem>>, vector<16xf32>,
      tpu.vector_store %arg15[%swap3A_712], %gather3A_709 {strides = array<i32>} : memref<36864xf32, #tpu.memory_space<vmem>>, vector<16xf32>,
      %add3A_714 = arith.constant 8 : i32
      %add3A_715 = arith.addi %add3A_658, %add3A_714 : i32
      %lt3A_716 = arith.constant 512 : i32
      %lt3A_717 = arith.cmpi slt, %add3A_715, %lt3A_716 : i32
      %convert_element_type3A_718 = arith.extui %lt3A_717 : i1 to i32
      %cond3A_719 = arith.constant 0 : i32
      %cond3A_720 = arith.cmpi ne, %convert_element_type3A_718, %cond3A_719 : i32
      scf.if %cond3A_720 {
        %add3A_721 = arith.constant 8 : i32
        %add3A_722 = arith.addi %add3A_658, %add3A_721 : i32
        %get3A_723 = arith.index_cast %add3A_722 : i32 to index
        %get3A_724 = tpu.vector_load %arg10[%get3A_723] {strides = array<i32>} : memref<528xi32, #tpu.memory_space<vmem>>, vector<16xi32>,
        %slice3A_725 = vector.extract_strided_slice %get3A_724 {offsets = [0], sizes = [1], strides = [1]} : vector<16xi32> to vector<1xi32>
        %squeeze3A_726 = vector.extract %slice3A_725[0] : i32 from vector<1xi32>
        %shift_right_arithmetic3A_727 = arith.constant 7 : i32
        %shift_right_arithmetic3A_728 = arith.shrsi %squeeze3A_726, %shift_right_arithmetic3A_727 : i32
        %mul3A_729 = arith.constant 128 : i32
        %mul3A_730 = arith.muli %shift_right_arithmetic3A_728, %mul3A_729 : i32
        %dma_start3A_731 = arith.constant 7 : i32
        %dma_start3A_732 = arith.constant 7 : i32
        %dma_start3A_733 = arith.constant 0 : i32
        %dma_start3A_734 = arith.constant 0 : i32
        %dma_start3A_735 = tpu.memref_slice %arg13[%dma_start3A_731, %dma_start3A_733, %dma_start3A_734] : memref<8x32x128xf32, #tpu.memory_space<vmem>> -> memref<1x32x128xf32, #tpu.memory_space<vmem>>
        %dma_start3A_736 = tpu.memref_squeeze %dma_start3A_735 : memref<1x32x128xf32, #tpu.memory_space<vmem>> -> memref<32x128xf32, #tpu.memory_space<vmem>>
        %dma_start3A_737 = arith.constant 0 : i32
        %dma_start3A_738 = tpu.memref_slice %arg4[%dma_start3A_737, %mul3A_730] : memref<32x1000001xf32, #tpu.memory_space<hbm>> -> memref<32x128xf32, #tpu.memory_space<hbm>>
        %dma_start3A_739 = tpu.memref_slice %arg18[%dma_start3A_732] : memref<8x!tpu.dma_semaphore, #tpu.memory_space<semaphore_mem>> -> memref<1x!tpu.dma_semaphore, #tpu.memory_space<semaphore_mem>>
        %dma_start3A_740 = tpu.memref_squeeze %dma_start3A_739 : memref<1x!tpu.dma_semaphore, #tpu.memory_space<semaphore_mem>> -> memref<!tpu.dma_semaphore, #tpu.memory_space<semaphore_mem>>
        %dma_start3A_741 = arith.constant 0 : i32
        %dma_start3A_742 = arith.constant 0 : i32
        %dma_start3A_743 = tpu.memref_slice %arg13[%dma_start3A_731, %dma_start3A_741, %dma_start3A_742] : memref<8x32x128xf32, #tpu.memory_space<vmem>> -> memref<1x32x128xf32, #tpu.memory_space<vmem>>
        %dma_start3A_744 = tpu.memref_squeeze %dma_start3A_743 : memref<1x32x128xf32, #tpu.memory_space<vmem>> -> memref<32x128xf32, #tpu.memory_space<vmem>>
        %dma_start3A_745 = arith.constant 0 : i32
        %dma_start3A_746 = tpu.memref_slice %arg4[%dma_start3A_745, %mul3A_730] : memref<32x1000001xf32, #tpu.memory_space<hbm>> -> memref<32x128xf32, #tpu.memory_space<hbm>>
        tpu.enqueue_dma source(%dma_start3A_746 : memref<32x128xf32, #tpu.memory_space<hbm>>) target(%dma_start3A_744 : memref<32x128xf32, #tpu.memory_space<vmem>>) target_semaphore(%dma_start3A_740 : memref<!tpu.dma_semaphore, #tpu.memory_space<semaphore_mem>>)
      } else {
      }
    }
    %scan3A_198 = arith.constant 64 : i32
    %mul3A_199 = arith.constant 72 : i32
    %mul3A_200 = arith.muli %mul3A_2, %mul3A_199 : i32
    "tpu.region"() ({
      %run_scoped3A = tpu.sem_alloc : memref<!tpu.dma_semaphore, #tpu.memory_space<semaphore_mem>>
      %dma_start3A_201 = tpu.memref_slice %arg9[%mul3A_200] : memref<1179648xf32, #tpu.memory_space<hbm>> -> memref<36864xf32, #tpu.memory_space<hbm>>
      %dma_start3A_202 = tpu.memref_slice %arg9[%mul3A_200] : memref<1179648xf32, #tpu.memory_space<hbm>> -> memref<36864xf32, #tpu.memory_space<hbm>>
      tpu.enqueue_dma source(%arg15 : memref<36864xf32, #tpu.memory_space<vmem>>) target(%dma_start3A_202 : memref<36864xf32, #tpu.memory_space<hbm>>) target_semaphore(%run_scoped3A : memref<!tpu.dma_semaphore, #tpu.memory_space<semaphore_mem>>)
      %dma_wait3A = tpu.memref_slice %arg9[%mul3A_200] : memref<1179648xf32, #tpu.memory_space<hbm>> -> memref<36864xf32, #tpu.memory_space<hbm>>
      %dma_wait3A_203 = tpu.memref_slice %arg9[%mul3A_200] : memref<1179648xf32, #tpu.memory_space<hbm>> -> memref<36864xf32, #tpu.memory_space<hbm>>
      tpu.wait_dma2 semaphore(%run_scoped3A : memref<!tpu.dma_semaphore, #tpu.memory_space<semaphore_mem>>) src(%arg15 : memref<36864xf32, #tpu.memory_space<vmem>>) dst(%dma_wait3A_203 : memref<36864xf32, #tpu.memory_space<hbm>>)
      tpu.yield
    }) : () -> ()
    return
  }
}

</mosaic_0001>

<sc_bundles>
// kernel: _run.3.cloned.1.call-start
scs
__scs_entry_jumppad:
0x0: {  	(pc) =	sbr.rel $0x88, $3  }
0x1: {  	(tag) =	ssettag $0x0;
	lr =	simm.s32 $0x1  }
0x2: {  	[smem:$0x3F9A] =	sst lr;
	_ =	strace $0xD0000000  }
0x3: {  	_ = 	snop  }
0x4: {  	_ = 	snop  }
0x5: {  	_ = 	snop  }
0x6: {  	_ = 	snop  }
0x7: {  	_ = 	snop  }
__scs_overlays_trampoline_lowered:
0x8: {  	[smem:$0x3FA9] =	sst s0  }
0x9: {  	[smem:$0x3FAA] =	sst s1  }
0xa: {  	[smem:$0x3FAB] =	sst s2  }
0xb: {  	[smem:$0x3FAC] =	sst s3  }
0xc: {  	[smem:$0x3FAD] =	sst s4  }
0xd: {  	[smem:$0x3FAE] =	sst s5  }
0xe: {  	[smem:$0x3FAF] =	sst s6  }
0xf: {  	[smem:$0x3FB0] =	sst s7  }
0x10: {  	[smem:$0x3FB1] =	sst s8  }
0x11: {  	[smem:$0x3FB2] =	sst s9;
	s0 =	simm.s32 @!p0 $0x0  }
0x12: {  	s1 =	sld [smem:$0x3F98];
	s0 =	simm.s32 @p0 $0x1  }
0x13: {  	[smem:$0x3FB3] =	sst s0;
	s0 =	simm.s32 @!p1 $0x0  }
0x14: {  	s2 =	sld [smem:$0x3F97];
	s0 =	simm.s32 @p1 $0x1  }
0x15: {  	[smem:$0x3FB4] =	sst s0;
	s0 =	simm.s32 @!p2 $0x0  }
0x16: {  	s3 =	sld [smem:$0x3FDB];
	s0 =	simm.s32 @p2 $0x1  }
0x17: {  	s4 =	simm.s32 $0x1BF5;
	[smem:$0x3FB6] =	sst s0  }
0x18: {  	s0 =	sld [smem:$0x3F99];
	_ =	swait.ge [sflag:s4], $0x0  }
0x19: {  	s7 =	sld [smem:$0x3F9A]  }
0x1a: {  	s8 =	sadd.s32 $0xFFFFE003, lr  }
0x1b: {  	s9 =	sadd.s32 $0xFFFFFEF7, lr;
	s5 =	simm.s32 $0xFFFFFFFF;
	p2 =	slt.u32 s8, $0xFFFFF086  }
0x1c: {  	p1 =	slt.u32 s9, $0xF7A;
	s5 =	simm.s32 @!p2 $0x0  }
0x1d: {  	s5 =	simm.s32 @p1 $0x1;
	p0 =	seq.s32 s7, s2  }
0x1e: {  	s7 =	smul.u32 @!p0 $0xF7A, s2;
	p2 =	seq.s32 @!p0 s5, $0x0  }
0x1f: {  	s9 =	smul.u32 $0xF7A, s1;
	s8 =	simm.s32 @!p0 $0x1BF5;
	p2 =	por !p2, p0  }
0x20: {  	[sflag:s8] =	ssyncset.s32 @!p0 $0xFFFFF086;
	s6 =	sadd.s32 @!p0 s3, s7;
	s7 =	simm.s32 @!p0 $0x108  }
0x21: {  	s3 =	sadd.s32 s3, s9;
	s6 =	sadd.s32 @!p0 $0x88, s6;
	s7 =	simm.s32 @p2 $0x1082  }
0x22: {  	[simem:s7], [sflag:s8] =	dma.local @!p0 [hbm:s6], $0xF7A  }
0x23: {  	s9 =	sor.u32 $0xD0000000, s2;
	s6 =	simm.s32 $0x108;
	_ =	swait.ge @!p0 [sflag:s8], $0x0  }
0x24: {  	s3 =	sadd.s32 $0x88, s3;
	s6 =	simm.s32 @!p1 $0x1082;
	[sflag:s4] =	ssyncset.s32 $0xFFFFF086  }
0x25: {  	[simem:s6], [sflag:s4] =	dma.local [hbm:s3], $0xF7A  }
0x26: {  	[smem:$0x3F9A] =	sst s1;
	(tag) =	ssettag s2;
	_ =	strace s9  }
0x27: {  	s1 =	sld [smem:$0x3FAA]  }
0x28: {  	s2 =	sld [smem:$0x3FAB]  }
0x29: {  	s4 =	sld [smem:$0x3FAD]  }
0x2a: {  	p0 =	seq.s32 s5, $0x0;
	s5 =	sld [smem:$0x3FAE]  }
0x2b: {  	s6 =	sld [smem:$0x3FAF]  }
0x2c: {  	s7 =	sld [smem:$0x3FB0]  }
0x2d: {  	s3 =	simm.s32 $0x108;
	s8 =	sld [smem:$0x3FB1]  }
0x2e: {  	s3 =	simm.s32 @!p0 $0x1082;
	s9 =	sld [smem:$0x3FB2]  }
0x2f: {  	lr =	sadd.s32 s0, s3;
	s0 =	sld [smem:$0x3FA9]  }
0x30: {  	s3 =	sld [smem:$0x3FAC]  }
0x31: {  	[smem:$0x3FB5] =	sst s10  }
0x32: {  	s10 =	sld [smem:$0x3FB3];
	_ =	sdelay $0x3  }
0x33: {  	p0 =	seq.s32 s10, $0x1;
	s10 =	sld [smem:$0x3FB5];
	_ =	sdelay $0x3  }
0x34: {  	[smem:$0x3FB5] =	sst s10  }
0x35: {  	s10 =	sld [smem:$0x3FB4];
	_ =	sdelay $0x3  }
0x36: {  	p1 =	seq.s32 s10, $0x1;
	s10 =	sld [smem:$0x3FB5];
	_ =	sdelay $0x3  }
0x37: {  	[smem:$0x3FB5] =	sst s10  }
0x38: {  	s10 =	sld [smem:$0x3FB6]  }
0x39: {  	_ = 	snop;
	(pc) =	sbr.ind lr, $3  }
0x3a: {  	_ = 	snop  }
0x3b: {  	_ = 	snop  }
0x3c: {  	p2 =	seq.s32 s10, $0x1;
	s10 =	sld [smem:$0x3FB5]  }
0x3d: {  	_ =	shalt  }
0x3e: {  	_ =	shalt  }
0x3f: {  	_ =	shalt  }
0x40: {  	_ =	shalt  }
0x41: {  	_ =	shalt  }
0x42: {  	_ =	shalt  }
0x43: {  	_ =	shalt  }
0x44: {  	_ =	shalt  }
0x45: {  	_ =	shalt  }
0x46: {  	_ =	shalt  }
0x47: {  	_ =	shalt  }
0x48: {  	_ =	shalt  }
0x49: {  	_ =	shalt  }
0x4a: {  	_ =	shalt  }
0x4b: {  	_ =	shalt  }
0x4c: {  	_ =	shalt  }
0x4d: {  	_ =	shalt  }
0x4e: {  	_ =	shalt  }
0x4f: {  	_ =	shalt  }
0x50: {  	_ =	shalt  }
0x51: {  	_ =	shalt  }
0x52: {  	_ =	shalt  }
0x53: {  	_ =	shalt  }
0x54: {  	_ =	shalt  }
0x55: {  	_ =	shalt  }
0x56: {  	_ =	shalt  }
0x57: {  	_ =	shalt  }
0x58: {  	_ =	shalt  }
0x59: {  	_ =	shalt  }
0x5a: {  	_ =	shalt  }
0x5b: {  	_ =	shalt  }
0x5c: {  	_ =	shalt  }
0x5d: {  	_ =	shalt  }
0x5e: {  	_ =	shalt  }
0x5f: {  	_ =	shalt  }
0x60: {  	_ =	shalt  }
0x61: {  	_ =	shalt  }
0x62: {  	_ =	shalt  }
0x63: {  	_ =	shalt  }
0x64: {  	_ =	shalt  }
0x65: {  	_ =	shalt  }
0x66: {  	_ =	shalt  }
0x67: {  	_ =	shalt  }
0x68: {  	_ =	shalt  }
0x69: {  	_ =	shalt  }
0x6a: {  	_ =	shalt  }
0x6b: {  	_ =	shalt  }
0x6c: {  	_ =	shalt  }
0x6d: {  	_ =	shalt  }
0x6e: {  	_ =	shalt  }
0x6f: {  	_ =	shalt  }
0x70: {  	_ =	shalt  }
0x71: {  	_ =	shalt  }
0x72: {  	_ =	shalt  }
0x73: {  	_ =	shalt  }
0x74: {  	_ =	shalt  }
0x75: {  	_ =	shalt  }
0x76: {  	_ =	shalt  }
0x77: {  	_ =	shalt  }
0x78: {  	_ =	shalt  }
0x79: {  	_ =	shalt  }
0x7a: {  	_ =	shalt  }
0x7b: {  	_ =	shalt  }
0x7c: {  	_ =	shalt  }
0x7d: {  	_ =	shalt  }
0x7e: {  	_ =	shalt  }
0x7f: {  	_ =	shalt  }
0x80: {  	_ =	shalt  }
0x81: {  	_ =	shalt  }
0x82: {  	_ =	shalt  }
0x83: {  	_ =	shalt  }
0x84: {  	_ =	shalt  }
0x85: {  	_ =	shalt  }
0x86: {  	_ =	shalt  }
0x87: {  	_ =	shalt  }
.Lfunc_end0:
.L_simem_size_0:
called_computation_lowered:
.L_overlay_start_0:
0x88: {  	s2 =	sld [smem:$0x3FD9]  }
0x89: {  	s3 =	sld [smem:$0x3FFE];
	_ =	sdelay $0x1  }
0x8a: {  	s1 =	srdreg.scid  }
0x8b: {  	s0 =	sand.u32 $0x1, s1  }
0x8c: {  	s18 =	sshll.u32 s0, $0xA;
	s2 =	sadd.s32 s3, s2  }
0x8d: {  	s2 =	sadd.s32 s2, s18  }
0x8e: {  	[smem:$0x3FC1] =	sst s2  }
0x8f: {  	_ = 	snop  }
0x90: {  	s2 =	sld [smem:$0x3FC9]  }
0x91: {  	s19 =	sld [smem:$0x3FC8]  }
0x92: {  	s4 =	sld [smem:$0x3FC7]  }
0x93: {  	s5 =	sld [smem:$0x3FC6]  }
0x94: {  	s6 =	sld [smem:$0x3FC5]  }
0x95: {  	s7 =	sld [smem:$0x3FC4]  }
0x96: {  	s8 =	sld [smem:$0x3FC3]  }
0x97: {  	s9 =	sld [smem:$0x3FD0];
	(tm) =	ssettm $0x1  }
0x98: {  	s10 =	sld [smem:$0x3FFB];
	_ =	sdelay $0x3  }
0x99: {  	_ =	strace s10  }
0x9a: {  	s10 =	sld [smem:$0x3FFC];
	_ =	sdelay $0x3  }
0x9b: {  	_ =	strace s10  }
0x9c: {  	s10 =	sld [smem:$0x3FFD];
	_ =	sdelay $0x3  }
0x9d: {  	_ =	strace s10  }
0x9e: {  	_ =	strace $0x8FFFFFFF  }
0x9f: {  	s20 =	sld [smem:$0x3FDB];
	_ =	sdelay $0x1  }
0xa0: {  	s11 =	simm.s32 $_scs_section_size  }
0xa1: {  	s12 =	simm.s32 $_size__tile_overlayer_lowered;
	s13 =	simm.s32 $_tile_overlayer_lowered  }
0xa2: {  	s23 =	simm.s32 $0x1BFF;
	s22 =	sshll.u32 s13, $0x1;
	s10 =	sadd.s32 s11, s20  }
0xa3: {  	s14 =	simm.s32 $0x0;
	s21 =	sshll.u32 s12, $0x1;
	s12 =	sadd.s32 s22, s10  }
0xa4: {  	[timem:s14], [sflag:s23] =	dma.local [hbm:s12], s21  }
0xa5: {  	_ =	swait.ge [sflag:s23], s21  }
0xa6: {  	s11 =	ssub.s32 $0x0, s21;
	[sflag:s23] =	ssyncset.done $0x0  }
0xa7: {  	[sflag:s23] =	ssyncadd.s32 s11;
	_ =	sdelay $0x1  }
0xa8: {  	s24 =	simm.s32 $0x1B8B  }
0xa9: {  	_ =	swait.ge [sflag:s24], $0x1  }
0xaa: {  	[sflag:s24] =	ssyncset.done $0x0  }
0xab: {  	s25 =	simm.s32 $0x1B8E;
	[sflag:s24] =	ssyncadd.s32 $0xFFFFFFFF  }
0xac: {  	s26 =	simm.s32 $execute0_lowered;
	[smem:$0x3FD2] =	sst s25  }
0xad: {  	s11 =	sshll.u32 s26, $0x1;
	_ =	strace $0x80000046;
	[dreg:$0x1] =	wrdreg $0xFFFFFFFF  }
0xae: {  	s28 =	simm.s32 $_size_execute0_lowered;
	s10 =	sadd.s32 s10, s11;
	[dreg:$0x0] =	wrdreg $0x0  }
0xaf: {  	s11 =	sshll.u32 s28, $0x1;
	[dreg:$0x2] =	wrdreg s10  }
0xb0: {  	[dreg:$0x3] =	wrdreg s11  }
0xb1: {  	[dreg:$0x4] =	wrdreg $0xC0  }
0xb2: {  	_ =	task [dreg:s14], $0x5FFFF  }
0xb3: {  	[dreg:$0x1] =	wrdreg $0xFFFFFFFF  }
0xb4: {  	[dreg:$0x0] =	wrdreg $0x60  }
0xb5: {  	[dreg:$0x2] =	wrdreg s2  }
0xb6: {  	[dreg:$0x3] =	wrdreg s19  }
0xb7: {  	[dreg:$0x4] =	wrdreg s4  }
0xb8: {  	[dreg:$0x5] =	wrdreg s5  }
0xb9: {  	[dreg:$0x6] =	wrdreg s6  }
0xba: {  	[dreg:$0x7] =	wrdreg s7  }
0xbb: {  	[dreg:$0x8] =	wrdreg s8  }
0xbc: {  	[dreg:$0x9] =	wrdreg s9  }
0xbd: {  	[dreg:$0xa] =	wrdreg $0x9  }
0xbe: {  	_ =	task.clear_ibuf [dreg:s14], $0xBFFFF;
	_ =	strace $0x90000046  }
0xbf: {  	s29 =	simm.s32 $0x9;
	_ =	strace $0x80000048  }
0xc0: {  	_ =	swait.ge [sflag:s29], $0x1  }
0xc1: {  	[sflag:s29] =	ssyncadd.s32 $0xFFFFFFFF  }
0xc2: {  	_ =	strace $0x90000048  }
0xc3: {  	_ =	sfence  }
0xc4: {  	s30 =	sld [smem:$0x0];
	_ =	sdelay $0x2  }
0xc5: {  	s31 =	sshll.u32 s1, $0xD;
	s1 =	sshrl.u32 s1, $0x2  }
0xc6: {  	s3 =	sand.u32 $0x4000, s31;
	s1 =	sadd.s32 s1, s30  }
0xc7: {  	s0 =	sor.u32 s3, s0;
	s1 =	sshll.u32 s1, $0x11  }
0xc8: {  	s0 =	sor.u32 s1, s0  }
0xc9: {  	s0 =	sadd.s32 $0x8F2B, s0  }
0xca: {  	[sflag:s0] =	ssyncadd.remote.s32 $0x1  }
0xcb: {  	_ =	sfence.sel $0xFFFF  }
0xcc: {  	[dreg:$0x0] =	wrdreg $0xFFFFFFFF;
	(pc) =	sbr.abs _section_cstart, $3  }
0xcd: {  	[dreg:$0x1] =	wrdreg $0xFFFFFFFF  }
0xce: {  	_ =	task.clear_ibuf [dreg:s14], $0x2FFFF;
	_ =	strace $0x9FFFFFFF  }
0xcf: {  	(tm) =	ssettm $0x7FFFFFFF  }
tec
execute0_lowered:
.L_overlay_start_1:
0x0: {  	(tag) =	ssettag $0x1  }
0x1: {  	s1 =	rddreg [dreg:$0x0]  }
0x2: {  	s2 =	rddreg [dreg:$0x1]  }
0x3: {  	s0 =	rddreg [dreg:$0x2]  }
0x4: {  	s3 =	rddreg [dreg:$0x7];
	s4 =	srdreg.scid  }
0x5: {  	s5 =	stileid.u32;
	s8 =	simm.s32 $0x0;
	s9 =	simm.s32 $0xA  }
0x6: {  	s10 =	simm.s32 $0x19680;
	s14 =	simm.s32 $0x400;
	s15 =	simm.s32 $0x7A1400  }
0x7: {  	s16 =	simm.s32 $0x680;
	s17 =	simm.s32 $0x1680;
	s18 =	simm.s32 $0x2680  }
0x8: {  	s19 =	simm.s32 $0x3680;
	s20 =	simm.s32 $0x4680;
	s21 =	simm.s32 $0x5680  }
0x9: {  	s22 =	simm.s32 $0x6680;
	s29 =	simm.s32 $0x1;
	s30 =	simm.s32 $0x2  }
0xa: {  	s31 =	simm.s32 $0x3;
	s4 =	sand.u32 $0x1, s4;
	s5 =	sshll.u32 s5, $0x1  }
0xb: {  	[smem:$0x7FF] =	sst s8;
	s6 =	ssub.s32 $0x2, s4;
	s4 =	sor.u32 s4, s5  }
0xc: {  	v1 =	vimm.s32 $0x58104800;
	_ =	strace $0x80000047;
	s25 =	sshrl.u32 s6, $0x1;
	s7 =	sshll.u32 s4, $0x6  }
0xd: {  	v2 =	vlaneseq.u32;
	v4 =	vimm.s32 $0x18500840;
	v5 =	vimm.s32 $0x38702860;
	s26 =	smul.u32 $0x1200, s4;
	s4 =	simm.s32 $0x5;
	s1 =	sadd.s32 s1, s7  }
.Ltmp0:
0xe: {  	v0 =	vmul.u32 $0x80, v2;
	v3 =	vunpack.c.0.s8.s32 v1;
	v1 =	vimm.s32 $0x78306820;
	s2 =	sadd.s32 s2, s7;
	[dreg:$0x9] =	wrdreg s1;
	(pc) =	sbr.rel .LBB2_1-.Ltmp0, $4  }
0xf: {  	v4 =	vunpack.c.0.s8.s32 v4;
	v5 =	vunpack.c.0.s8.s32 v5;
	v6 =	vunpack.c.0.s8.s32 v1;
	s5 =	ssub.s32 s6, s25;
	s7 =	simm.s32 $0x0;
	[dreg:$0xa] =	wrdreg s2  }
0x10: {  	vm0 =	vcmask $0x1F10;
	v7 =	vmul.u32 $0x48, v2;
	v2 =	vimm.s32 $0x1FF;
	s1 =	sadd.s32 s3, s26;
	s28 =	smax.u32 s5, $0x1;
	s26 =	simm.s32 $0x7680  }
0x11: {  	v1 =	vor.u32 $0x800, v0;
	v5 =	vsel vm0, v5, v4;
	v6 =	vsel vm0, v6, v3;
	s2 =	simm.s32 $0x4;
	s3 =	simm.s32 $0x7;
	[dreg:$0xb] =	wrdreg s1  }
0x12: {  	v4 =	vadd.s32 $0x40, v7;
	v3 =	vimm.s32 $0x0;
	v5 =	vcombine.low v5, v6;
	s5 =	simm.s32 $0x8;
	[dreg:$0xc] =	wrdreg s28;
	s1 =	simm.s32 $0x6  }
.LBB2_7:
0x13: {  	s8 =	simm.s32 $0x0  }
0x14: {  	s6 =	rddreg [dreg:$0xb];
	s7 =	simm.s32 $0x10680;
	s9 =	simm.s32 $0xA  }
0x15: {  	[hbm4b:s6+s8] =	stream.linear.scatter [tilespmem:s7], [sflag:$0xA], $0x9000, $0x38;
	[tilespmem:$0x19B00] =	vst v63  }
0x16: {  	_ =	swait.ge [sflag:s9], $0x9000  }
0x17: {  	s25 =	rddreg [dreg:$0xd]  }
0x18: {  	s28 =	rddreg [dreg:$0xc];
	s7 =	sadd.s32 $0x1, s25  }
0x19: {  	p0 =	sne.s32 s7, s28  }
.Ltmp1:
0x1a: {  	_ = 	snop;
	(pc) =	sbr.rel @!p0 .LBB2_8-.Ltmp1, $3  }
0x1b: {  	_ =	sdelay $0x1  }
0x1c: {  	[sflag:s9] =	ssyncset.done $0x0  }
0x1d: {  	[sflag:s9] =	ssyncadd.s32 $0xFFFF7000  }
.LBB2_1:
0x1e: {  	[dreg:$0xd] =	wrdreg s7  }
0x1f: {  	s6 =	rddreg [dreg:$0x9]  }
0x20: {  	[tilespmem:s8], [sflag:$0xA] =	stream.linear.gather [hbm4b:s6+s8], $0x200, $0x38;
	[tilespmem:$0x19B00] =	vst v63  }
0x21: {  	_ =	swait.ge [sflag:s9], $0x200  }
0x22: {  	[sflag:s9] =	ssyncset.done $0x0  }
0x23: {  	s12 =	simm.s32 $0x280;
	s13 =	rddreg [dreg:$0xa];
	[sflag:s9] =	ssyncadd.s32 $0xFFFFFE00  }
0x24: {  	[tilespmem:s12], [sflag:$0xA] =	stream.linear.gather [hbm4b:s13+s8], $0x200, $0x38;
	[tilespmem:$0x19B00] =	vst v63  }
0x25: {  	_ =	swait.ge [sflag:s9], $0x200  }
0x26: {  	[sflag:s9] =	ssyncset.done $0x0  }
0x27: {  	[sflag:s9] =	ssyncadd.s32 $0xFFFFFE00  }
0x28: {  	s23 =	rddreg [dreg:$0x4]  }
0x29: {  	[tilespmem:s10], [sflag:$0xA] =	stream.linear.gather [hbm4b:s23+s8], $0x400, $0x38;
	[tilespmem:$0x19B00] =	vst v63  }
0x2a: {  	_ =	swait.ge [sflag:s9], $0x400  }
0x2b: {  	[sflag:s9] =	ssyncset.done $0x0  }
0x2c: {  	[sflag:s9] =	ssyncadd.s32 $0xFFFFFC00  }
0x2d: {  	s25 =	simm.s32 $0x19A80;
	s24 =	rddreg [dreg:$0x5]  }
0x2e: {  	[tilespmem:s25], [sflag:$0xA] =	stream.linear.gather [hbm4b:s24+s8], $0x10, $0x38;
	[tilespmem:$0x19B00] =	vst v63  }
0x2f: {  	_ =	swait.ge [sflag:s9], $0x10  }
0x30: {  	[sflag:s9] =	ssyncset.done $0x0  }
0x31: {  	[sflag:s9] =	ssyncadd.s32 $0xFFFFFFF0  }
0x32: {  	s13 =	simm.s32 $0x19A90;
	s11 =	rddreg [dreg:$0x6]  }
0x33: {  	[tilespmem:s13], [sflag:$0xA] =	stream.linear.gather [hbm4b:s11+s8], $0x10, $0x38;
	[tilespmem:$0x19B00] =	vst v63  }
0x34: {  	_ =	swait.ge [sflag:s9], $0x10  }
0x35: {  	[sflag:s9] =	ssyncset.done $0x0  }
0x36: {  	[sflag:s9] =	ssyncadd.s32 $0xFFFFFFF0  }
0x37: {  	s24 =	simm.s32 $0x8680;
	s23 =	rddreg [dreg:$0x3]  }
0x38: {  	[tilespmem:s24], [sflag:$0x9] =	stream.linear.gather [hbm4b:s23+s8], $0x8000, $0x38;
	[tilespmem:$0x19B00] =	vst v63  }
0x39: {  	v6 =	vld [tilespmem:$0x0];
	_ =	sdelay $0x4  }
0x3a: {  	(v2sf) =	vpush v6, $0x0;
	_ =	sdelay $0xe  }
0x3b: {  	s25 =	spop (v2sf)  }
0x3c: {  	s7 =	sand.u32 $0xFFFFF80, s25  }
0x3d: {  	s7 =	sadd.s32 s0, s7  }
0x3e: {  	[tilespmem:s16], [sflag:$0x1] =	stream.strided.gather [hbm4b:s7+s14], $0x1000, s15, s14, $0x38;
	[tilespmem:$0x19B00] =	vst v63  }
0x3f: {  	v6 =	vld [tilespmem:$0x1];
	_ =	sdelay $0x4  }
0x40: {  	(v2sf) =	vpush v6, $0x0;
	_ =	sdelay $0xe  }
0x41: {  	s6 =	spop (v2sf)  }
0x42: {  	s7 =	sand.u32 $0xFFFFF80, s6  }
0x43: {  	s7 =	sadd.s32 s0, s7  }
0x44: {  	[tilespmem:s17], [sflag:$0x2] =	stream.strided.gather [hbm4b:s7+s14], $0x1000, s15, s14, $0x38;
	[tilespmem:$0x19B00] =	vst v63  }
0x45: {  	v6 =	vld [tilespmem:$0x2];
	_ =	sdelay $0x4  }
0x46: {  	(v2sf) =	vpush v6, $0x0;
	_ =	sdelay $0xe  }
0x47: {  	s8 =	spop (v2sf)  }
0x48: {  	s7 =	sand.u32 $0xFFFFF80, s8  }
0x49: {  	s7 =	sadd.s32 s0, s7  }
0x4a: {  	[tilespmem:s18], [sflag:$0x3] =	stream.strided.gather [hbm4b:s7+s14], $0x1000, s15, s14, $0x38;
	[tilespmem:$0x19B00] =	vst v63  }
0x4b: {  	v6 =	vld [tilespmem:$0x3];
	_ =	sdelay $0x4  }
0x4c: {  	(v2sf) =	vpush v6, $0x0;
	_ =	sdelay $0xe  }
0x4d: {  	s9 =	spop (v2sf)  }
0x4e: {  	s7 =	sand.u32 $0xFFFFF80, s9  }
0x4f: {  	s7 =	sadd.s32 s0, s7  }
0x50: {  	[tilespmem:s19], [sflag:$0x4] =	stream.strided.gather [hbm4b:s7+s14], $0x1000, s15, s14, $0x38;
	[tilespmem:$0x19B00] =	vst v63  }
0x51: {  	v6 =	vld [tilespmem:$0x4];
	_ =	sdelay $0x4  }
0x52: {  	(v2sf) =	vpush v6, $0x0;
	_ =	sdelay $0xe  }
0x53: {  	s11 =	spop (v2sf)  }
0x54: {  	s7 =	sand.u32 $0xFFFFF80, s11  }
0x55: {  	s7 =	sadd.s32 s0, s7  }
0x56: {  	[tilespmem:s20], [sflag:$0x5] =	stream.strided.gather [hbm4b:s7+s14], $0x1000, s15, s14, $0x38;
	[tilespmem:$0x19B00] =	vst v63  }
0x57: {  	v6 =	vld [tilespmem:$0x5];
	_ =	sdelay $0x4  }
0x58: {  	(v2sf) =	vpush v6, $0x0;
	_ =	sdelay $0xe  }
0x59: {  	s13 =	spop (v2sf)  }
0x5a: {  	s7 =	sand.u32 $0xFFFFF80, s13  }
0x5b: {  	s7 =	sadd.s32 s0, s7  }
0x5c: {  	[tilespmem:s21], [sflag:$0x6] =	stream.strided.gather [hbm4b:s7+s14], $0x1000, s15, s14, $0x38;
	[tilespmem:$0x19B00] =	vst v63  }
0x5d: {  	v6 =	vld [tilespmem:$0x6];
	_ =	sdelay $0x4  }
0x5e: {  	(v2sf) =	vpush v6, $0x0;
	_ =	sdelay $0xe  }
0x5f: {  	s23 =	spop (v2sf)  }
0x60: {  	s7 =	sand.u32 $0xFFFFF80, s23  }
0x61: {  	s7 =	sadd.s32 s0, s7  }
0x62: {  	[tilespmem:s22], [sflag:$0x7] =	stream.strided.gather [hbm4b:s7+s14], $0x1000, s15, s14, $0x38;
	[tilespmem:$0x19B00] =	vst v63  }
0x63: {  	v6 =	vld [tilespmem:$0x7];
	_ =	sdelay $0x4  }
0x64: {  	(v2sf) =	vpush v6, $0x0;
	_ =	sdelay $0xe  }
0x65: {  	s24 =	spop (v2sf)  }
0x66: {  	s7 =	sand.u32 $0xFFFFF80, s24  }
0x67: {  	s7 =	sadd.s32 s0, s7  }
0x68: {  	[tilespmem:s26], [sflag:$0x8] =	stream.strided.gather [hbm4b:s7+s14], $0x1000, s15, s14, $0x38;
	[tilespmem:$0x19B00] =	vst v63  }
0x69: {  	s25 =	simm.s32 $0x9;
	v6 =	vld [tilespmem:$0x19A80]  }
0x6a: {  	s28 =	simm.s32 $0x0;
	s8 =	simm.s32 $0x107A0;
	v7 =	vld [tilespmem:$0x19A90];
	_ =	swait.ge [sflag:s25], $0x8000  }
0x6b: {  	s13 =	simm.s32 $0x480;
	s23 =	simm.s32 $0x8;
	[sflag:s25] =	ssyncset.done $0x0  }
0x6c: {  	s24 =	simm.s32 $0x0;
	[sflag:s25] =	ssyncadd.s32 $0xFFFF8000;
	s25 =	simm.s32 $0x0  }
.LBB2_2:
0x6d: {  	s7 =	sand.u32 $0x1, s28  }
0x6e: {  	p0 =	seq.s32 s7, $0x1  }
.Ltmp2:
0x6f: {  	_ = 	snop;
	(pc) =	sbr.rel @!p0 .LBB2_3-.Ltmp2, $1  }
0x70: {  	_ =	sdelay $0x3  }
0x71: {  	s7 =	sand.u32 $0x1F0, s24  }
0x72: {  	v8 =	vld [tilespmem:s7+$0x480];
	_ =	sdelay $0x4  }
0x73: {  	(v2sf) =	vpush v8, $0x0;
	_ =	sdelay $0xb  }
0x74: {  	(v2sf) =	vpush v8, $0x1;
	_ =	sdelay $0x2  }
0x75: {  	s11 =	spop (v2sf)  }
0x76: {  	v9 =	vld [tilespmem:s11+$0x8680];
	_ =	sdelay $0x1  }
0x77: {  	s7 =	smul.u32 $0x120, s7;
	_ =	sdelay $0x1  }
0x78: {  	s7 =	sshrl.u32 s7, $0x2  }
0x79: {  	[tilespmem:s7+$0x106A0] =	vst v9  }
0x7a: {  	v9 =	vld [tilespmem:s11+$0x8690];
	_ =	sdelay $0x1  }
0x7b: {  	(v2sf) =	vpush v8, $0x2;
	_ =	sdelay $0x2  }
0x7c: {  	s9 =	spop (v2sf);
	[tilespmem:s7+$0x106B0] =	vst v9  }
0x7d: {  	v9 =	vld [tilespmem:s9+$0x8680];
	_ =	sdelay $0x4  }
0x7e: {  	[tilespmem:s7+$0x106E8] =	vst v9  }
0x7f: {  	v9 =	vld [tilespmem:s9+$0x8690];
	_ =	sdelay $0x1  }
0x80: {  	(v2sf) =	vpush v8, $0x3;
	_ =	sdelay $0x2  }
0x81: {  	s6 =	spop (v2sf);
	[tilespmem:s7+$0x106F8] =	vst v9  }
0x82: {  	v9 =	vld [tilespmem:s6+$0x8680];
	_ =	sdelay $0x4  }
0x83: {  	[tilespmem:s7+$0x10730] =	vst v9  }
0x84: {  	v9 =	vld [tilespmem:s6+$0x8690];
	_ =	sdelay $0x1  }
0x85: {  	(v2sf) =	vpush v8, $0x4;
	_ =	sdelay $0x2  }
0x86: {  	s9 =	spop (v2sf);
	[tilespmem:s7+$0x10740] =	vst v9  }
0x87: {  	v9 =	vld [tilespmem:s9+$0x8680];
	_ =	sdelay $0x4  }
0x88: {  	[tilespmem:s7+$0x10778] =	vst v9  }
0x89: {  	v9 =	vld [tilespmem:s9+$0x8690];
	_ =	sdelay $0x1  }
0x8a: {  	(v2sf) =	vpush v8, $0x5;
	_ =	sdelay $0x2  }
0x8b: {  	s6 =	spop (v2sf);
	[tilespmem:s7+$0x10788] =	vst v9  }
0x8c: {  	v9 =	vld [tilespmem:s6+$0x8680];
	_ =	sdelay $0x4  }
0x8d: {  	[tilespmem:s7+$0x107C0] =	vst v9  }
0x8e: {  	v9 =	vld [tilespmem:s6+$0x8690];
	_ =	sdelay $0x1  }
0x8f: {  	(v2sf) =	vpush v8, $0x6;
	_ =	sdelay $0x2  }
0x90: {  	s9 =	spop (v2sf);
	[tilespmem:s7+$0x107D0] =	vst v9  }
0x91: {  	v9 =	vld [tilespmem:s9+$0x8680];
	_ =	sdelay $0x4  }
0x92: {  	[tilespmem:s7+$0x10808] =	vst v9  }
0x93: {  	v9 =	vld [tilespmem:s9+$0x8690];
	_ =	sdelay $0x1  }
0x94: {  	(v2sf) =	vpush v8, $0x7;
	_ =	sdelay $0x2  }
0x95: {  	s6 =	spop (v2sf);
	[tilespmem:s7+$0x10818] =	vst v9  }
0x96: {  	v9 =	vld [tilespmem:s6+$0x8680];
	_ =	sdelay $0x4  }
0x97: {  	[tilespmem:s7+$0x10850] =	vst v9  }
0x98: {  	v9 =	vld [tilespmem:s6+$0x8690];
	_ =	sdelay $0x1  }
0x99: {  	(v2sf) =	vpush v8, $0x8;
	_ =	sdelay $0x2  }
0x9a: {  	s9 =	spop (v2sf);
	[tilespmem:s7+$0x10860] =	vst v9  }
0x9b: {  	v9 =	vld [tilespmem:s9+$0x8680];
	_ =	sdelay $0x4  }
0x9c: {  	[tilespmem:s7+$0x10898] =	vst v9  }
0x9d: {  	v9 =	vld [tilespmem:s9+$0x8690];
	_ =	sdelay $0x1  }
0x9e: {  	(v2sf) =	vpush v8, $0x9;
	_ =	sdelay $0x2  }
0x9f: {  	s6 =	spop (v2sf);
	[tilespmem:s7+$0x108A8] =	vst v9  }
0xa0: {  	v9 =	vld [tilespmem:s6+$0x8680];
	_ =	sdelay $0x3  }
0xa1: {  	s9 =	sor.u32 $0x60, s25  }
0xa2: {  	[tilespmem:s9+$0x10680] =	vst v9  }
0xa3: {  	v9 =	vld [tilespmem:s6+$0x8690];
	_ =	sdelay $0x1  }
0xa4: {  	(v2sf) =	vpush v8, $0xA;
	_ =	sdelay $0x1  }
0xa5: {  	s11 =	sor.u32 $0x70, s25  }
0xa6: {  	s7 =	spop (v2sf);
	[tilespmem:s11+$0x10680] =	vst v9  }
0xa7: {  	v9 =	vld [tilespmem:s7+$0x8680]  }
0xa8: {  	s6 =	sor.u32 $0x9, s24  }
0xa9: {  	s11 =	smul.u32 $0x48, s6;
	_ =	sdelay $0x1  }
0xaa: {  	s9 =	sor.u32 $0x28, s11  }
0xab: {  	[tilespmem:s9+$0x10680] =	vst v9  }
0xac: {  	v9 =	vld [tilespmem:s7+$0x8690];
	_ =	sdelay $0x1  }
0xad: {  	(v2sf) =	vpush v8, $0xB;
	_ =	sdelay $0x1  }
0xae: {  	s9 =	sor.u32 $0x38, s11  }
0xaf: {  	s7 =	spop (v2sf);
	[tilespmem:s9+$0x10680] =	vst v9  }
0xb0: {  	v9 =	vld [tilespmem:s7+$0x8680]  }
0xb1: {  	s11 =	sor.u32 $0xA, s24  }
0xb2: {  	s9 =	smul.u32 $0x48, s11;
	_ =	sdelay $0x1  }
0xb3: {  	s6 =	sor.u32 $0x70, s9  }
0xb4: {  	[tilespmem:s6+$0x10680] =	vst v9  }
0xb5: {  	v9 =	vld [tilespmem:s7+$0x8690];
	_ =	sdelay $0x1  }
0xb6: {  	(v2sf) =	vpush v8, $0xC;
	_ =	sdelay $0x2  }
0xb7: {  	s7 =	spop (v2sf);
	[tilespmem:s9+$0x106B0] =	vst v9  }
0xb8: {  	v9 =	vld [tilespmem:s7+$0x8680]  }
0xb9: {  	s11 =	sor.u32 $0xB, s24  }
0xba: {  	s9 =	smul.u32 $0x48, s11;
	_ =	sdelay $0x1  }
0xbb: {  	s6 =	sor.u32 $0x38, s9  }
0xbc: {  	[tilespmem:s6+$0x10680] =	vst v9  }
0xbd: {  	v9 =	vld [tilespmem:s7+$0x8690];
	_ =	sdelay $0x1  }
0xbe: {  	(v2sf) =	vpush v8, $0xD;
	_ =	sdelay $0x2  }
0xbf: {  	s6 =	spop (v2sf);
	[tilespmem:s9+$0x106B0] =	vst v9  }
0xc0: {  	v9 =	vld [tilespmem:s6+$0x8680]  }
0xc1: {  	s11 =	sor.u32 $0xC, s24  }
0xc2: {  	s9 =	smul.u32 $0x120, s11;
	_ =	sdelay $0x1  }
0xc3: {  	s9 =	sshra.s32 s9, $0x2  }
0xc4: {  	[tilespmem:s9+$0x106A0] =	vst v9  }
0xc5: {  	v9 =	vld [tilespmem:s6+$0x8690];
	_ =	sdelay $0x1  }
0xc6: {  	(v2sf) =	vpush v8, $0xE;
	_ =	sdelay $0x2  }
0xc7: {  	s6 =	spop (v2sf);
	[tilespmem:s9+$0x106B0] =	vst v9  }
0xc8: {  	v9 =	vld [tilespmem:s6+$0x8680]  }
0xc9: {  	s11 =	sor.u32 $0xD, s24  }
0xca: {  	s9 =	smul.u32 $0x120, s11;
	_ =	sdelay $0x1  }
0xcb: {  	s9 =	sshra.s32 s9, $0x2  }
0xcc: {  	[tilespmem:s9+$0x106A0] =	vst v9  }
0xcd: {  	v9 =	vld [tilespmem:s6+$0x8690];
	_ =	sdelay $0x1  }
0xce: {  	(v2sf) =	vpush v8, $0xF;
	_ =	sdelay $0x2  }
0xcf: {  	s6 =	spop (v2sf);
	[tilespmem:s9+$0x106B0] =	vst v9  }
0xd0: {  	v8 =	vld [tilespmem:s6+$0x8680]  }
0xd1: {  	s11 =	sor.u32 $0xE, s24  }
0xd2: {  	s9 =	smul.u32 $0x120, s11;
	_ =	sdelay $0x1  }
0xd3: {  	s9 =	sshra.s32 s9, $0x2  }
0xd4: {  	[tilespmem:s9+$0x106A0] =	vst v8  }
0xd5: {  	v8 =	vld [tilespmem:s6+$0x8690];
	_ =	sdelay $0x4  }
0xd6: {  	s6 =	spop (v2sf);
	[tilespmem:s9+$0x106B0] =	vst v8  }
0xd7: {  	v8 =	vld [tilespmem:s6+$0x8680]  }
0xd8: {  	s11 =	sor.u32 $0xF, s24  }
0xd9: {  	s9 =	smul.u32 $0x120, s11;
	_ =	sdelay $0x1  }
0xda: {  	s9 =	sshra.s32 s9, $0x2  }
0xdb: {  	[tilespmem:s9+$0x106A0] =	vst v8  }
0xdc: {  	v8 =	vld [tilespmem:s6+$0x8690]  }
.Ltmp3:
0xdd: {  	_ = 	snop;
	(pc) =	sbr.rel .LBB2_5-.Ltmp3, $2  }
0xde: {  	_ =	sdelay $0x2  }
0xdf: {  	[tilespmem:s9+$0x106B0] =	vst v8  }
.LBB2_3:
0xe0: {  	_ =	sdelay $0x2  }
0xe1: {  	v8 =	vld [tilespmem:s12+$0x0]  }
0xe2: {  	v9 =	vld.idx.msk [tilespmem:v2+s10+$0x0], $0xffff;
	_ =	sdelay $0x4  }
0xe3: {  	vm0 =	vlt.f32 v9, v8  }
0xe4: {  	v9 =	vsel vm0, $0x200, v3  }
0xe5: {  	v10 =	vor.u32 $0xFF, v9;
	_ =	sdelay $0x4  }
0xe6: {  	v10 =	vld.idx.msk [tilespmem:v10+s10+$0x0], $0xffff;
	_ =	sdelay $0x4  }
0xe7: {  	v11 =	vor.u32 $0x100, v9;
	vm8 =	vlt.f32 v10, v8  }
0xe8: {  	v9 =	vsel vm8, v11, v9  }
0xe9: {  	v53 =	vor.u32 $0x7F, v9;
	_ =	sdelay $0x4  }
0xea: {  	v10 =	vld.idx.msk [tilespmem:v53+s10+$0x0], $0xffff;
	_ =	sdelay $0x4  }
0xeb: {  	v11 =	vor.u32 $0x80, v9;
	vm9 =	vlt.f32 v10, v8  }
0xec: {  	v9 =	vsel vm9, v11, v9  }
0xed: {  	v54 =	vor.u32 $0x3F, v9;
	_ =	sdelay $0x4  }
0xee: {  	v10 =	vld.idx.msk [tilespmem:v54+s10+$0x0], $0xffff;
	_ =	sdelay $0x4  }
0xef: {  	v11 =	vor.u32 $0x40, v9;
	vm10 =	vlt.f32 v10, v8  }
0xf0: {  	v9 =	vsel vm10, v11, v9  }
0xf1: {  	v55 =	vmin.u32 v9, $0x3C8  }
0xf2: {  	v10 =	vadd.s32 $0x1F, v55;
	_ =	sdelay $0x4  }
0xf3: {  	v10 =	vld.idx.msk [tilespmem:v10+s10+$0x0], $0xffff;
	_ =	sdelay $0x4  }
0xf4: {  	vm0 =	vlt.u32 v9, $0x3C9;
	vm1 =	vlt.f32 v10, v8  }
0xf5: {  	v56 =	vadd.s32 $0x20, v9;
	vm0 =	vmand vm1, vm0  }
0xf6: {  	v9 =	vsel vm0, v56, v9  }
0xf7: {  	v10 =	vmin.u32 v9, $0x3D8  }
0xf8: {  	v10 =	vadd.s32 $0xF, v10;
	_ =	sdelay $0x4  }
0xf9: {  	v10 =	vld.idx.msk [tilespmem:v10+s10+$0x0], $0xffff;
	_ =	sdelay $0x4  }
0xfa: {  	vm0 =	vlt.u32 v9, $0x3D9;
	vm11 =	vlt.f32 v10, v8  }
0xfb: {  	v57 =	vadd.s32 $0x10, v9;
	vm0 =	vmand vm11, vm0  }
0xfc: {  	v9 =	vsel vm0, v57, v9  }
0xfd: {  	v10 =	vmin.u32 v9, $0x3E0  }
0xfe: {  	v10 =	vadd.s32 $0x7, v10;
	_ =	sdelay $0x4  }
0xff: {  	v10 =	vld.idx.msk [tilespmem:v10+s10+$0x0], $0xffff;
	_ =	sdelay $0x4  }
0x100: {  	vm0 =	vlt.u32 v9, $0x3E1;
	vm12 =	vlt.f32 v10, v8  }
0x101: {  	v58 =	vadd.s32 $0x8, v9;
	vm0 =	vmand vm12, vm0  }
0x102: {  	v9 =	vsel vm0, v58, v9  }
0x103: {  	v10 =	vmin.u32 v9, $0x3E4  }
0x104: {  	v10 =	vadd.s32 $0x3, v10;
	_ =	sdelay $0x4  }
0x105: {  	v10 =	vld.idx.msk [tilespmem:v10+s10+$0x0], $0xffff;
	_ =	sdelay $0x4  }
0x106: {  	vm0 =	vlt.u32 v9, $0x3E5;
	vm13 =	vlt.f32 v10, v8  }
0x107: {  	v59 =	vadd.s32 $0x4, v9;
	vm0 =	vmand vm13, vm0  }
0x108: {  	v9 =	vsel vm0, v59, v9  }
0x109: {  	v10 =	vmin.u32 v9, $0x3E6  }
0x10a: {  	v10 =	vadd.s32 $0x1, v10;
	_ =	sdelay $0x4  }
0x10b: {  	v10 =	vld.idx.msk [tilespmem:v10+s10+$0x0], $0xffff;
	_ =	sdelay $0x4  }
0x10c: {  	vm0 =	vlt.u32 v9, $0x3E7;
	vm14 =	vlt.f32 v10, v8  }
0x10d: {  	v60 =	vadd.s32 $0x2, v9;
	vm0 =	vmand vm14, vm0  }
0x10e: {  	v9 =	vsel vm0, v60, v9  }
0x10f: {  	v10 =	vmin.u32 v9, $0x3E7;
	_ =	sdelay $0x3  }
0x110: {  	v61 =	vmov s24  }
0x111: {  	v11 =	vmul.u32 $0x48, v61;
	v10 =	vld.idx.msk [tilespmem:v10+s10+$0x0], $0xffff;
	_ =	sdelay $0x1  }
0x112: {  	v11 =	vbroadcast v11, $0x0;
	_ =	sdelay $0x1  }
0x113: {  	v11 =	vadd.s32 v4, v11  }
0x114: {  	v62 =	vand.u32 $0x1FF80, v11;
	vm0 =	vlt.u32 v9, $0x3E8;
	vm15 =	vlt.f32 v10, v8  }
0x115: {  	v10 =	vor.u32 v5, v62;
	vm0 =	vmand vm15, vm0  }
0x116: {  	v8 =	vsub.f32 v8, v6;
	v63 =	vsel vm0, $0x1, v3  }
0x117: {  	v9 =	vadd.s32 v63, v9  }
0x118: {  	v8 =	vmul.f32 v8, v7;
	v9 =	vshll.u32 v9, $0x5  }
0x119: {  	s6 =	simm.s32 $0x10680;
	[tilespmem:s13+$0x0] =	vst v9  }
0x11a: {  	[tilespmem:v10+s6+$0x0] =	vst.idx.msk $0xffff, v8  }
.LBB2_5:
0x11b: {  	_ =	swait.ge [sflag:s29], $0x1000  }
0x11c: {  	[sflag:s29] =	ssyncset.done $0x0  }
0x11d: {  	[sflag:s29] =	ssyncadd.s32 $0xFFFFF000  }
0x11e: {  	v8 =	vld [tilespmem:s23+$0xFFFFFFF8];
	_ =	sdelay $0x4  }
0x11f: {  	(v2sf) =	vpush v8, $0x0;
	_ =	sdelay $0xe  }
0x120: {  	s7 =	spop (v2sf)  }
0x121: {  	s7 =	sand.u32 $0x7F, s7  }
0x122: {  	v8 =	vor.u32 s7, v0;
	_ =	sdelay $0x4  }
0x123: {  	v8 =	vld.idx.msk [tilespmem:v8+s16+$0x0], $0xffff  }
0x124: {  	v9 =	vor.u32 s7, v1;
	_ =	sdelay $0x3  }
0x125: {  	[tilespmem:s8+$0xFFFFFEE0] =	vst v8  }
0x126: {  	v8 =	vld.idx.msk [tilespmem:v9+s16+$0x0], $0xffff;
	_ =	sdelay $0x4  }
0x127: {  	p0 =	seq.s32 s25, $0x8DC0;
	[tilespmem:s8+$0xFFFFFEF0] =	vst v8  }
0x128: {  	v8 =	vld @!p0 [tilespmem:s23+$0x0];
	_ =	sdelay $0x4  }
0x129: {  	(v2sf) =	vpush @!p0 v8, $0x0;
	_ =	sdelay $0xe  }
0x12a: {  	s7 =	spop @!p0 (v2sf)  }
0x12b: {  	s11 =	simm.s32 @!p0 $0x7A1400;
	s7 =	sand.u32 @!p0 $0xFFFFF80, s7  }
0x12c: {  	s6 =	simm.s32 @!p0 $0x680;
	s9 =	sadd.s32 @!p0 s0, s7;
	s7 =	simm.s32 @!p0 $0x400  }
0x12d: {  	[tilespmem:s6], [sflag:$0x1] =	stream.strided.gather @!p0 [hbm4b:s9+s7], $0x1000, s11, s7, $0x38;
	[tilespmem:$0x19B00] =	vst v63  }
0x12e: {  	_ =	swait.ge [sflag:s30], $0x1000  }
0x12f: {  	[sflag:s30] =	ssyncset.done $0x0  }
0x130: {  	[sflag:s30] =	ssyncadd.s32 $0xFFFFF000  }
0x131: {  	v8 =	vld [tilespmem:s23+$0xFFFFFFF9];
	_ =	sdelay $0x4  }
0x132: {  	(v2sf) =	vpush v8, $0x0;
	_ =	sdelay $0xe  }
0x133: {  	s9 =	spop (v2sf)  }
0x134: {  	s6 =	sand.u32 $0x7F, s9  }
0x135: {  	v8 =	vor.u32 s6, v0;
	_ =	sdelay $0x4  }
0x136: {  	v8 =	vld.idx.msk [tilespmem:v8+s17+$0x0], $0xffff  }
0x137: {  	v57 =	vor.u32 s6, v1;
	_ =	sdelay $0x3  }
0x138: {  	[tilespmem:s8+$0xFFFFFF28] =	vst v8  }
0x139: {  	v8 =	vld.idx.msk [tilespmem:v57+s17+$0x0], $0xffff;
	_ =	sdelay $0x4  }
0x13a: {  	[tilespmem:s8+$0xFFFFFF38] =	vst v8  }
0x13b: {  	v8 =	vld @!p0 [tilespmem:s23+$0x1];
	_ =	sdelay $0x4  }
0x13c: {  	(v2sf) =	vpush @!p0 v8, $0x0;
	_ =	sdelay $0xe  }
0x13d: {  	s6 =	spop @!p0 (v2sf)  }
0x13e: {  	s6 =	sand.u32 @!p0 $0xFFFFF80, s6  }
0x13f: {  	s9 =	simm.s32 @!p0 $0x1680;
	s6 =	sadd.s32 @!p0 s0, s6  }
0x140: {  	[tilespmem:s9], [sflag:$0x2] =	stream.strided.gather @!p0 [hbm4b:s6+s7], $0x1000, s11, s7, $0x38;
	[tilespmem:$0x19B00] =	vst v63  }
0x141: {  	_ =	swait.ge [sflag:s31], $0x1000  }
0x142: {  	[sflag:s31] =	ssyncset.done $0x0  }
0x143: {  	[sflag:s31] =	ssyncadd.s32 $0xFFFFF000  }
0x144: {  	v8 =	vld [tilespmem:s23+$0xFFFFFFFA];
	_ =	sdelay $0x4  }
0x145: {  	(v2sf) =	vpush v8, $0x0;
	_ =	sdelay $0xe  }
0x146: {  	s9 =	spop (v2sf)  }
0x147: {  	s6 =	sand.u32 $0x7F, s9  }
0x148: {  	v8 =	vor.u32 s6, v0;
	_ =	sdelay $0x4  }
0x149: {  	v8 =	vld.idx.msk [tilespmem:v8+s18+$0x0], $0xffff  }
0x14a: {  	v58 =	vor.u32 s6, v1;
	_ =	sdelay $0x3  }
0x14b: {  	[tilespmem:s8+$0xFFFFFF70] =	vst v8  }
0x14c: {  	v8 =	vld.idx.msk [tilespmem:v58+s18+$0x0], $0xffff;
	_ =	sdelay $0x4  }
0x14d: {  	[tilespmem:s8+$0xFFFFFF80] =	vst v8  }
0x14e: {  	v8 =	vld @!p0 [tilespmem:s23+$0x2];
	_ =	sdelay $0x4  }
0x14f: {  	(v2sf) =	vpush @!p0 v8, $0x0;
	_ =	sdelay $0xe  }
0x150: {  	s6 =	spop @!p0 (v2sf)  }
0x151: {  	s6 =	sand.u32 @!p0 $0xFFFFF80, s6  }
0x152: {  	s9 =	simm.s32 @!p0 $0x2680;
	s6 =	sadd.s32 @!p0 s0, s6  }
0x153: {  	[tilespmem:s9], [sflag:$0x3] =	stream.strided.gather @!p0 [hbm4b:s6+s7], $0x1000, s11, s7, $0x38;
	[tilespmem:$0x19B00] =	vst v63  }
0x154: {  	_ =	swait.ge [sflag:s2], $0x1000  }
0x155: {  	[sflag:s2] =	ssyncset.done $0x0  }
0x156: {  	[sflag:s2] =	ssyncadd.s32 $0xFFFFF000  }
0x157: {  	v8 =	vld [tilespmem:s23+$0xFFFFFFFB];
	_ =	sdelay $0x4  }
0x158: {  	(v2sf) =	vpush v8, $0x0;
	_ =	sdelay $0xe  }
0x159: {  	s9 =	spop (v2sf)  }
0x15a: {  	s6 =	sand.u32 $0x7F, s9  }
0x15b: {  	v8 =	vor.u32 s6, v0;
	_ =	sdelay $0x4  }
0x15c: {  	v8 =	vld.idx.msk [tilespmem:v8+s19+$0x0], $0xffff  }
0x15d: {  	v59 =	vor.u32 s6, v1;
	_ =	sdelay $0x3  }
0x15e: {  	[tilespmem:s8+$0xFFFFFFB8] =	vst v8  }
0x15f: {  	v8 =	vld.idx.msk [tilespmem:v59+s19+$0x0], $0xffff;
	_ =	sdelay $0x4  }
0x160: {  	[tilespmem:s8+$0xFFFFFFC8] =	vst v8  }
0x161: {  	v8 =	vld @!p0 [tilespmem:s23+$0x3];
	_ =	sdelay $0x4  }
0x162: {  	(v2sf) =	vpush @!p0 v8, $0x0;
	_ =	sdelay $0xe  }
0x163: {  	s6 =	spop @!p0 (v2sf)  }
0x164: {  	s6 =	sand.u32 @!p0 $0xFFFFF80, s6  }
0x165: {  	s9 =	simm.s32 @!p0 $0x3680;
	s6 =	sadd.s32 @!p0 s0, s6  }
0x166: {  	[tilespmem:s9], [sflag:$0x4] =	stream.strided.gather @!p0 [hbm4b:s6+s7], $0x1000, s11, s7, $0x38;
	[tilespmem:$0x19B00] =	vst v63  }
0x167: {  	_ =	swait.ge [sflag:s4], $0x1000  }
0x168: {  	[sflag:s4] =	ssyncset.done $0x0  }
0x169: {  	[sflag:s4] =	ssyncadd.s32 $0xFFFFF000  }
0x16a: {  	v8 =	vld [tilespmem:s23+$0xFFFFFFFC];
	_ =	sdelay $0x4  }
0x16b: {  	(v2sf) =	vpush v8, $0x0;
	_ =	sdelay $0xe  }
0x16c: {  	s9 =	spop (v2sf)  }
0x16d: {  	s6 =	sand.u32 $0x7F, s9  }
0x16e: {  	v8 =	vor.u32 s6, v0;
	_ =	sdelay $0x4  }
0x16f: {  	v8 =	vld.idx.msk [tilespmem:v8+s20+$0x0], $0xffff  }
0x170: {  	v60 =	vor.u32 s6, v1;
	_ =	sdelay $0x3  }
0x171: {  	[tilespmem:s8+$0x0] =	vst v8  }
0x172: {  	v8 =	vld.idx.msk [tilespmem:v60+s20+$0x0], $0xffff;
	_ =	sdelay $0x4  }
0x173: {  	[tilespmem:s8+$0x10] =	vst v8  }
0x174: {  	v8 =	vld @!p0 [tilespmem:s23+$0x4];
	_ =	sdelay $0x4  }
0x175: {  	(v2sf) =	vpush @!p0 v8, $0x0;
	_ =	sdelay $0xe  }
0x176: {  	s6 =	spop @!p0 (v2sf)  }
0x177: {  	s6 =	sand.u32 @!p0 $0xFFFFF80, s6  }
0x178: {  	s9 =	simm.s32 @!p0 $0x4680;
	s6 =	sadd.s32 @!p0 s0, s6  }
0x179: {  	[tilespmem:s9], [sflag:$0x5] =	stream.strided.gather @!p0 [hbm4b:s6+s7], $0x1000, s11, s7, $0x38;
	[tilespmem:$0x19B00] =	vst v63  }
0x17a: {  	_ =	swait.ge [sflag:s1], $0x1000  }
0x17b: {  	[sflag:s1] =	ssyncset.done $0x0  }
0x17c: {  	[sflag:s1] =	ssyncadd.s32 $0xFFFFF000  }
0x17d: {  	v8 =	vld [tilespmem:s23+$0xFFFFFFFD];
	_ =	sdelay $0x4  }
0x17e: {  	(v2sf) =	vpush v8, $0x0;
	_ =	sdelay $0xe  }
0x17f: {  	s9 =	spop (v2sf)  }
0x180: {  	s6 =	sand.u32 $0x7F, s9  }
0x181: {  	v8 =	vor.u32 s6, v0;
	_ =	sdelay $0x4  }
0x182: {  	v8 =	vld.idx.msk [tilespmem:v8+s21+$0x0], $0xffff  }
0x183: {  	v61 =	vor.u32 s6, v1;
	_ =	sdelay $0x3  }
0x184: {  	[tilespmem:s8+$0x48] =	vst v8  }
0x185: {  	v8 =	vld.idx.msk [tilespmem:v61+s21+$0x0], $0xffff;
	_ =	sdelay $0x4  }
0x186: {  	[tilespmem:s8+$0x58] =	vst v8  }
0x187: {  	v8 =	vld @!p0 [tilespmem:s23+$0x5];
	_ =	sdelay $0x4  }
0x188: {  	(v2sf) =	vpush @!p0 v8, $0x0;
	_ =	sdelay $0xe  }
0x189: {  	s6 =	spop @!p0 (v2sf)  }
0x18a: {  	s6 =	sand.u32 @!p0 $0xFFFFF80, s6  }
0x18b: {  	s9 =	simm.s32 @!p0 $0x5680;
	s6 =	sadd.s32 @!p0 s0, s6  }
0x18c: {  	[tilespmem:s9], [sflag:$0x6] =	stream.strided.gather @!p0 [hbm4b:s6+s7], $0x1000, s11, s7, $0x38;
	[tilespmem:$0x19B00] =	vst v63  }
0x18d: {  	_ =	swait.ge [sflag:s3], $0x1000  }
0x18e: {  	[sflag:s3] =	ssyncset.done $0x0  }
0x18f: {  	[sflag:s3] =	ssyncadd.s32 $0xFFFFF000  }
0x190: {  	v8 =	vld [tilespmem:s23+$0xFFFFFFFE];
	_ =	sdelay $0x4  }
0x191: {  	(v2sf) =	vpush v8, $0x0;
	_ =	sdelay $0xe  }
0x192: {  	s9 =	spop (v2sf)  }
0x193: {  	s6 =	sand.u32 $0x7F, s9  }
0x194: {  	v8 =	vor.u32 s6, v0;
	_ =	sdelay $0x4  }
0x195: {  	v8 =	vld.idx.msk [tilespmem:v8+s22+$0x0], $0xffff  }
0x196: {  	v62 =	vor.u32 s6, v1;
	_ =	sdelay $0x3  }
0x197: {  	[tilespmem:s8+$0x90] =	vst v8  }
0x198: {  	v8 =	vld.idx.msk [tilespmem:v62+s22+$0x0], $0xffff;
	_ =	sdelay $0x4  }
0x199: {  	[tilespmem:s8+$0xA0] =	vst v8  }
0x19a: {  	v8 =	vld @!p0 [tilespmem:s23+$0x6];
	_ =	sdelay $0x4  }
0x19b: {  	(v2sf) =	vpush @!p0 v8, $0x0;
	_ =	sdelay $0xe  }
0x19c: {  	s6 =	spop @!p0 (v2sf)  }
0x19d: {  	s6 =	sand.u32 @!p0 $0xFFFFF80, s6  }
0x19e: {  	s9 =	simm.s32 @!p0 $0x6680;
	s6 =	sadd.s32 @!p0 s0, s6  }
0x19f: {  	[tilespmem:s9], [sflag:$0x7] =	stream.strided.gather @!p0 [hbm4b:s6+s7], $0x1000, s11, s7, $0x38;
	[tilespmem:$0x19B00] =	vst v63  }
0x1a0: {  	_ =	swait.ge [sflag:s5], $0x1000  }
0x1a1: {  	[sflag:s5] =	ssyncset.done $0x0  }
0x1a2: {  	[sflag:s5] =	ssyncadd.s32 $0xFFFFF000  }
0x1a3: {  	v8 =	vld [tilespmem:s23+$0xFFFFFFFF];
	_ =	sdelay $0x4  }
0x1a4: {  	(v2sf) =	vpush v8, $0x0;
	_ =	sdelay $0xe  }
0x1a5: {  	s11 =	spop (v2sf)  }
0x1a6: {  	s6 =	sand.u32 $0x7F, s11  }
0x1a7: {  	v8 =	vor.u32 s6, v0;
	_ =	sdelay $0x4  }
0x1a8: {  	v8 =	vld.idx.msk [tilespmem:v8+s26+$0x0], $0xffff  }
0x1a9: {  	v63 =	vor.u32 s6, v1;
	_ =	sdelay $0x3  }
0x1aa: {  	[tilespmem:s8+$0xD8] =	vst v8  }
0x1ab: {  	v8 =	vld.idx.msk [tilespmem:v63+s26+$0x0], $0xffff  }
.Ltmp4:
0x1ac: {  	_ = 	snop;
	(pc) =	sbr.rel @p0 .LBB2_7-.Ltmp4, $2  }
0x1ad: {  	_ =	sdelay $0x2  }
0x1ae: {  	[tilespmem:s8+$0xE8] =	vst v8  }
0x1af: {  	v8 =	vld [tilespmem:s23+$0x7];
	_ =	sdelay $0x4  }
0x1b0: {  	(v2sf) =	vpush v8, $0x0;
	_ =	sdelay $0xd  }
.Ltmp5:
0x1b1: {  	s28 =	sadd.s32 $0x1, s28;
	(pc) =	sbr.rel .LBB2_2-.Ltmp5, $4  }
0x1b2: {  	s25 =	sadd.s32 $0x240, s25;
	s24 =	sadd.s32 $0x8, s24;
	s6 =	spop (v2sf)  }
0x1b3: {  	s13 =	sadd.s32 $0x8, s13;
	s12 =	sadd.s32 $0x8, s12;
	s6 =	sand.u32 $0xFFFFF80, s6  }
0x1b4: {  	s8 =	sadd.s32 $0x240, s8;
	s23 =	sadd.s32 $0x8, s23;
	s6 =	sadd.s32 s0, s6  }
0x1b5: {  	[tilespmem:s26], [sflag:$0x8] =	stream.strided.gather [hbm4b:s6+s14], $0x1000, s15, s14, $0x38;
	[tilespmem:$0x19B00] =	vst v63  }
.LBB2_8:
0x1b6: {  	_ =	sfence.sel $0x180000  }
0x1b7: {  	[bflag:$0x0] =	sbarrier.arrive $0xFFFF  }
0x1b8: {  	_ =	strace $0x90000047  }
0x1b9: {  	s0 =	stileid.u32;
	[bflag:$0x2] =	sbarrier.arrive $0xFFFF  }
0x1ba: {  	p0 =	sne.s32 s0, $0x0;
	s0 =	rddreg [dreg:$0x8]  }
0x1bb: {  	s0 =	sadd.s32 @!p0 $0x100000, s0  }
0x1bc: {  	[sflag:s0] =	ssyncadd.tile.s32 @!p0 $0x1;
	_ =	shalt  }
.Lfunc_end2:
_tile_overlayer_lowered:
.L_overlay_start_2:
0x1bd: {  	(tag) =	ssettag $0x2  }
0x1be: {  	s0 =	rddreg [dreg:$0x0];
	s2 =	stileid.u32  }
0x1bf: {  	s1 =	rddreg [dreg:$0x1];
	p0 =	sne.s32 s2, $0x0  }
0x1c0: {  	s3 =	rddreg [dreg:$0x2];
	[bflag:$0x3] =	sbarrier.arrive $0xFFFF;
	s2 =	simm.s32 @!p0 $0x1C0A  }
0x1c1: {  	[timem:s3], [sflag:s2] =	dma.local @!p0 [hbm:s0], s1  }
0x1c2: {  	s0 =	simm.s32 @!p0 $0xA  }
0x1c3: {  	_ =	swait.ge @!p0 [sflag:s0], s1  }
0x1c4: {  	s1 =	ssub.s32 @!p0 $0x0, s1;
	[sflag:s0] =	ssyncset.done @!p0 $0x0  }
0x1c5: {  	[sflag:s0] =	ssyncadd.s32 @!p0 s1  }
0x1c6: {  	[bflag:$0x3] =	sbarrier.arrive $0xFFFF  }
0x1c7: {  	_ =	shalt  }

</sc_bundles>
